<compile_context>
chip_gen: v7x
topology: tpu7x:2x2x1
jax: 0.10.2.dev20260603
libtpu: 0.0.44.dev20260713+nightly
codegen_flags: <defaults>
</compile_context>

<pallas_src>
import jax
import jax.numpy as jnp
from jax import lax
from jax.experimental import pallas as pl
from jax.experimental.pallas import tpu as pltpu
from jax.experimental.pallas import tpu_sc as plsc

_K = 16
_L = 16
_NW = 32
_QPW = 32
_C = 8


def _merge_desc(ad, ai, bd, bi):
    take = bd < ad
    nd = jnp.where(take, bd, ad)
    ni = jnp.where(take, bi, ai)
    return plsc.sort_key_val(nd, ni, descending=True)


def _sc_body(xs_hbm, ys_hbm, zs_hbm, q_hbm, dens_hbm, out_hbm, x_v, y_v, z_v, q_v, ob_v, dr_v, sem):
    fp = xs_hbm.shape[1]
    p = fp // 4
    steps = p // (_L * _C)
    wid = lax.axis_index("s") * 2 + lax.axis_index("c")
    b = wid // (_NW // xs_hbm.shape[0])

    pltpu.sync_copy(xs_hbm.at[b], x_v)
    pltpu.sync_copy(ys_hbm.at[b], y_v)
    pltpu.sync_copy(zs_hbm.at[b], z_v)
    pltpu.sync_copy(q_hbm.at[wid], q_v)

    lanes = lax.iota(jnp.int32, _L)
    inf = jnp.float32(jnp.inf)

    def _splat(slot):
        return plsc.load_gather(q_v, [jnp.full((_L,), slot, jnp.int32)])

    def per_query(i, carry):
        qx = _splat(i)
        qy = _splat(_QPW + i)
        qz = _splat(2 * _QPW + i)
        qff = _splat(4 * _QPW + i)
        qfi = qff.astype(jnp.int32) - 1
        basev = qfi * p + lanes

        def scan_step(j, tk):
            out = []
            for ch in range(_C):
                td, ti = tk[2 * ch], tk[2 * ch + 1]
                idxv = basev + (j * _C + ch) * _L
                xv = plsc.load_gather(x_v, [idxv])
                yv = plsc.load_gather(y_v, [idxv])
                zv = plsc.load_gather(z_v, [idxv])
                dx = xv - qx
                dy = yv - qy
                dz = zv - qz
                d2 = dx * dx + dy * dy + dz * dz
                cd, ci = plsc.sort_key_val(d2, idxv)
                out.extend(_merge_desc(td, ti, cd, ci))
            return tuple(out)

        td0 = jnp.full((_L,), inf, jnp.float32)
        ti0 = jnp.zeros((_L,), jnp.int32)
        tk = lax.fori_loop(0, steps, scan_step, (td0, ti0) * _C)

        pairs = [(tk[2 * ch], tk[2 * ch + 1]) for ch in range(_C)]
        while len(pairs) > 1:
            nxt = []
            for a in range(0, len(pairs), 2):
                (ad, ai), (bd, bi) = pairs[a], pairs[a + 1]
                bd = lax.rev(bd, (0,))
                bi = lax.rev(bi, (0,))
                nxt.append(_merge_desc(ad, ai, bd, bi))
            pairs = nxt
        td, ti = pairs[0]
        td = lax.rev(td, (0,))
        ti = lax.rev(ti, (0,))

        xg = plsc.load_gather(x_v, [ti])
        yg = plsc.load_gather(y_v, [ti])
        zg = plsc.load_gather(z_v, [ti])
        row = i * (5 * _K)
        ob_v[pl.ds(row, _K)] = xg - qx
        ob_v[pl.ds(row + _K, _K)] = yg - qy
        ob_v[pl.ds(row + 2 * _K, _K)] = zg - qz
        ob_v[pl.ds(row + 4 * _K, _K)] = qff - 1.0
        didx = ti + b * fp
        pltpu.async_copy(dens_hbm.at[didx],
                         ob_v.at[pl.ds(row + 3 * _K, _K)], sem)
        return carry

    lax.fori_loop(0, _QPW, per_query, 0)
    pltpu.make_async_copy(dens_hbm.at[pl.ds(0, _QPW * _K)], dr_v, sem).wait()
    pltpu.sync_copy(ob_v, out_hbm.at[pl.ds(wid * (_QPW * 5 * _K),
                                           _QPW * 5 * _K)])


def kernel(sample_points, points_frames, K):
    del K
    b, n, _ = sample_points.shape
    _, f, p, c = points_frames.shape
    fp = f * p
    pts = points_frames.reshape(b, fp, c)
    xs, ys, zs = (pts[..., k].reshape(b, fp) for k in range(3))
    dens = pts[..., 3].reshape(b * fp)
    q = sample_points.reshape(b * n, 5).T
    qg = (q.reshape(5, _NW, _QPW).transpose(1, 0, 2)
          .reshape(_NW, 5 * _QPW))

    out = pl.kernel(
        _sc_body,
        out_type=jax.ShapeDtypeStruct((b * n * 5 * _K,), jnp.float32),
        mesh=plsc.VectorSubcoreMesh(core_axis_name="c", subcore_axis_name="s"),
        compiler_params=pltpu.CompilerParams(needs_layout_passes=False),
        scratch_types=[
            pltpu.VMEM((fp,), jnp.float32),
            pltpu.VMEM((fp,), jnp.float32),
            pltpu.VMEM((fp,), jnp.float32),
            pltpu.VMEM((5 * _QPW,), jnp.float32),
            pltpu.VMEM((_QPW * 5 * _K,), jnp.float32),
            pltpu.VMEM((_QPW * _K,), jnp.float32),
            pltpu.SemaphoreType.DMA,
        ],
    )(xs, ys, zs, qg, dens)
    return out.reshape(b, n, 5, _K).transpose(0, 1, 3, 2)

# --- scband reference (transcript-rebuilt; emitter-appended) ---
"""Pipeline reference for scband-cross-point-net-91070486544467 (READ-ONLY COPY).

The authoritative reference and input builder live on the scoring server;
editing this copy changes nothing except your own understanding.
"""

import jax, jax.numpy as jnp
import numpy as np

B, N, F, P = 4, 256, 4, 8192

def setup_inputs(seed: int = 0) -> dict:
    key = jax.random.key(seed)
    k1, k2, k3, k4 = jax.random.split(key, 4)
    coords = jax.random.normal(k1, (B, N, 3), dtype=jnp.float32)
    density = jax.random.uniform(k2, (B, N, 1), dtype=jnp.float32) + 0.1
    frames = jax.random.randint(k3, (B, N, 1), 1, F + 1).astype(jnp.float32)
    sample_points = jnp.concatenate([coords, density, frames], axis=-1)
    points_frames = jax.random.normal(k4, (B, F, P, 4), dtype=jnp.float32)
    return {"sample_points": sample_points, "points_frames": points_frames, "K": 16}

def reference(sample_points, points_frames, K):
    K_static = 16
    Bb, Nn, _ = sample_points.shape
    _, Ff, Pp, _ = points_frames.shape
    sample_coords = sample_points[:, :, :3]
    sample_frames = sample_points[:, :, -1].astype(jnp.int32) - 1
    # gather per-query frame: [B, N, P, 4]
    idx_f = jnp.broadcast_to(sample_frames[:, :, None, None], (Bb, Nn, Pp, 4))
    selected = jnp.take_along_axis(points_frames, idx_f, axis=1)
    # pairwise L2 distances query -> all points in its frame: [B, N, P]
    diff = selected[..., :3] - sample_coords[:, :, None, :]
    dists = jnp.sqrt(jnp.sum(diff * diff, axis=-1))
    # K nearest (smallest distance)
    _, nearest_idx = jax.lax.top_k(-dists, K_static)  # [B, N, K]
    idx_g = jnp.broadcast_to(nearest_idx[..., None], (Bb, Nn, K_static, 4))
    nearest_points = jnp.take_along_axis(selected, idx_g, axis=2)  # [B, N, K, 4]
    rel = nearest_points[..., :3] - sample_coords[:, :, None, :]
    frame_ch = jnp.broadcast_to(sample_frames[:, :, None].astype(jnp.float32), (Bb, Nn, K_static))
    out = jnp.concatenate([rel, nearest_points[..., 3:4], frame_ch[..., None]], axis=-1)
    out = out + ((jnp.asarray(K) - K_static) * 0).astype(out.dtype)
    return out

if __name__ == "__main__":
    import jax
    _d = setup_inputs()
    print(jax.jit(kernel)(*tuple(_d.values())))

</pallas_src>

<mosaic_0001>
#map = affine_map<(d0, d1) -> (0, 0)>
#map1 = affine_map<(d0, d1) -> (0)>
module attributes {stable_mosaic.version = 14 : i64} {
  func.func @_sc_body(%arg0: i32, %arg1: i32, %arg2: memref<4x32768xf32, #tpu.memory_space<hbm>>, %arg3: memref<4x32768xf32, #tpu.memory_space<hbm>>, %arg4: memref<4x32768xf32, #tpu.memory_space<hbm>>, %arg5: memref<32x160xf32, #tpu.memory_space<hbm>>, %arg6: memref<131072xf32, #tpu.memory_space<hbm>>, %arg7: memref<81920xf32, #tpu.memory_space<hbm>>, %arg8: memref<32768xf32, #tpu.memory_space<vmem>>, %arg9: memref<32768xf32, #tpu.memory_space<vmem>>, %arg10: memref<32768xf32, #tpu.memory_space<vmem>>, %arg11: memref<160xf32, #tpu.memory_space<vmem>>, %arg12: memref<2560xf32, #tpu.memory_space<vmem>>, %arg13: memref<512xf32, #tpu.memory_space<vmem>>, %arg14: memref<!tpu.dma_semaphore, #tpu.memory_space<semaphore_mem>>) attributes {dimension_semantics = [#tpu.dimension_semantics<core_parallel>, #tpu.dimension_semantics<subcore_parallel>], iteration_bounds = array<i64: 2, 16>, scalar_prefetch = 0 : i64, scratch_operands = 7 : i64, tpu.core_type = #tpu.core_type<sc_vector_subcore>, window_params = [{transform_indices = #map}, {transform_indices = #map}, {transform_indices = #map}, {transform_indices = #map}, {transform_indices = #map1}, {transform_indices = #map1}]} {
    %mul3A = arith.constant 2 : i32
    %mul3A_0 = arith.muli %arg1, %mul3A : i32
    %add3A = arith.addi %mul3A_0, %arg0 : i32
    %jit3A = arith.constant 8 : i32
    %div3A = arith.divsi %add3A, %jit3A : i32
    %sign3A = arith.constant 0 : i32
    %sign3A_1 = arith.cmpi sgt, %add3A, %sign3A : i32
    %sign3A_2 = arith.extui %sign3A_1 : i1 to i32
    %sign3A_3 = arith.constant 0 : i32
    %sign3A_4 = arith.cmpi slt, %add3A, %sign3A_3 : i32
    %sign3A_5 = arith.extui %sign3A_4 : i1 to i32
    %sign3A_6 = arith.subi %sign3A_2, %sign3A_5 : i32
    %sign3A_7 = arith.constant 0 : i32
    %sign3A_8 = arith.cmpi sgt, %jit3A, %sign3A_7 : i32
    %sign3A_9 = arith.extui %sign3A_8 : i1 to i32
    %sign3A_10 = arith.constant 0 : i32
    %sign3A_11 = arith.cmpi slt, %jit3A, %sign3A_10 : i32
    %sign3A_12 = arith.extui %sign3A_11 : i1 to i32
    %sign3A_13 = arith.subi %sign3A_9, %sign3A_12 : i32
    %ne3A = arith.cmpi ne, %sign3A_6, %sign3A_13 : i32
    %rem3A = arith.remsi %add3A, %jit3A : i32
    %ne3A_14 = arith.constant 0 : i32
    %ne3A_15 = arith.cmpi ne, %rem3A, %ne3A_14 : i32
    %and3A = arith.andi %ne3A, %ne3A_15 : i1
    %sub3A = arith.constant 1 : i32
    %sub3A_16 = arith.subi %div3A, %sub3A : i32
    %select_n3A = arith.select %and3A, %sub3A_16, %div3A : i32
    "tpu.region"() ({
      %run_scoped3A = tpu.sem_alloc : memref<!tpu.dma_semaphore, #tpu.memory_space<semaphore_mem>>
      %dma_start3A = arith.constant 0 : i32
      %dma_start3A_28 = tpu.memref_slice %arg2[%select_n3A, %dma_start3A] : memref<4x32768xf32, #tpu.memory_space<hbm>> -> memref<1x32768xf32, #tpu.memory_space<hbm>>
      %dma_start3A_29 = tpu.memref_squeeze %dma_start3A_28 : memref<1x32768xf32, #tpu.memory_space<hbm>> -> memref<32768xf32, #tpu.memory_space<hbm>>
      %dma_start3A_30 = arith.constant 0 : i32
      %dma_start3A_31 = tpu.memref_slice %arg2[%select_n3A, %dma_start3A_30] : memref<4x32768xf32, #tpu.memory_space<hbm>> -> memref<1x32768xf32, #tpu.memory_space<hbm>>
      %dma_start3A_32 = tpu.memref_squeeze %dma_start3A_31 : memref<1x32768xf32, #tpu.memory_space<hbm>> -> memref<32768xf32, #tpu.memory_space<hbm>>
      tpu.enqueue_dma source(%dma_start3A_32 : memref<32768xf32, #tpu.memory_space<hbm>>) target(%arg8 : memref<32768xf32, #tpu.memory_space<vmem>>) target_semaphore(%run_scoped3A : memref<!tpu.dma_semaphore, #tpu.memory_space<semaphore_mem>>)
      %dma_wait3A_33 = arith.constant 0 : i32
      %dma_wait3A_34 = tpu.memref_slice %arg2[%select_n3A, %dma_wait3A_33] : memref<4x32768xf32, #tpu.memory_space<hbm>> -> memref<1x32768xf32, #tpu.memory_space<hbm>>
      %dma_wait3A_35 = tpu.memref_squeeze %dma_wait3A_34 : memref<1x32768xf32, #tpu.memory_space<hbm>> -> memref<32768xf32, #tpu.memory_space<hbm>>
      %dma_wait3A_36 = arith.constant 0 : i32
      %dma_wait3A_37 = tpu.memref_slice %arg2[%select_n3A, %dma_wait3A_36] : memref<4x32768xf32, #tpu.memory_space<hbm>> -> memref<1x32768xf32, #tpu.memory_space<hbm>>
      %dma_wait3A_38 = tpu.memref_squeeze %dma_wait3A_37 : memref<1x32768xf32, #tpu.memory_space<hbm>> -> memref<32768xf32, #tpu.memory_space<hbm>>
      tpu.wait_dma2 semaphore(%run_scoped3A : memref<!tpu.dma_semaphore, #tpu.memory_space<semaphore_mem>>) src(%dma_wait3A_38 : memref<32768xf32, #tpu.memory_space<hbm>>) dst(%arg8 : memref<32768xf32, #tpu.memory_space<vmem>>)
      tpu.yield
    }) : () -> ()
    "tpu.region"() ({
      %run_scoped3A = tpu.sem_alloc : memref<!tpu.dma_semaphore, #tpu.memory_space<semaphore_mem>>
      %dma_start3A = arith.constant 0 : i32
      %dma_start3A_28 = tpu.memref_slice %arg3[%select_n3A, %dma_start3A] : memref<4x32768xf32, #tpu.memory_space<hbm>> -> memref<1x32768xf32, #tpu.memory_space<hbm>>
      %dma_start3A_29 = tpu.memref_squeeze %dma_start3A_28 : memref<1x32768xf32, #tpu.memory_space<hbm>> -> memref<32768xf32, #tpu.memory_space<hbm>>
      %dma_start3A_30 = arith.constant 0 : i32
      %dma_start3A_31 = tpu.memref_slice %arg3[%select_n3A, %dma_start3A_30] : memref<4x32768xf32, #tpu.memory_space<hbm>> -> memref<1x32768xf32, #tpu.memory_space<hbm>>
      %dma_start3A_32 = tpu.memref_squeeze %dma_start3A_31 : memref<1x32768xf32, #tpu.memory_space<hbm>> -> memref<32768xf32, #tpu.memory_space<hbm>>
      tpu.enqueue_dma source(%dma_start3A_32 : memref<32768xf32, #tpu.memory_space<hbm>>) target(%arg9 : memref<32768xf32, #tpu.memory_space<vmem>>) target_semaphore(%run_scoped3A : memref<!tpu.dma_semaphore, #tpu.memory_space<semaphore_mem>>)
      %dma_wait3A_33 = arith.constant 0 : i32
      %dma_wait3A_34 = tpu.memref_slice %arg3[%select_n3A, %dma_wait3A_33] : memref<4x32768xf32, #tpu.memory_space<hbm>> -> memref<1x32768xf32, #tpu.memory_space<hbm>>
      %dma_wait3A_35 = tpu.memref_squeeze %dma_wait3A_34 : memref<1x32768xf32, #tpu.memory_space<hbm>> -> memref<32768xf32, #tpu.memory_space<hbm>>
      %dma_wait3A_36 = arith.constant 0 : i32
      %dma_wait3A_37 = tpu.memref_slice %arg3[%select_n3A, %dma_wait3A_36] : memref<4x32768xf32, #tpu.memory_space<hbm>> -> memref<1x32768xf32, #tpu.memory_space<hbm>>
      %dma_wait3A_38 = tpu.memref_squeeze %dma_wait3A_37 : memref<1x32768xf32, #tpu.memory_space<hbm>> -> memref<32768xf32, #tpu.memory_space<hbm>>
      tpu.wait_dma2 semaphore(%run_scoped3A : memref<!tpu.dma_semaphore, #tpu.memory_space<semaphore_mem>>) src(%dma_wait3A_38 : memref<32768xf32, #tpu.memory_space<hbm>>) dst(%arg9 : memref<32768xf32, #tpu.memory_space<vmem>>)
      tpu.yield
    }) : () -> ()
    "tpu.region"() ({
      %run_scoped3A = tpu.sem_alloc : memref<!tpu.dma_semaphore, #tpu.memory_space<semaphore_mem>>
      %dma_start3A = arith.constant 0 : i32
      %dma_start3A_28 = tpu.memref_slice %arg4[%select_n3A, %dma_start3A] : memref<4x32768xf32, #tpu.memory_space<hbm>> -> memref<1x32768xf32, #tpu.memory_space<hbm>>
      %dma_start3A_29 = tpu.memref_squeeze %dma_start3A_28 : memref<1x32768xf32, #tpu.memory_space<hbm>> -> memref<32768xf32, #tpu.memory_space<hbm>>
      %dma_start3A_30 = arith.constant 0 : i32
      %dma_start3A_31 = tpu.memref_slice %arg4[%select_n3A, %dma_start3A_30] : memref<4x32768xf32, #tpu.memory_space<hbm>> -> memref<1x32768xf32, #tpu.memory_space<hbm>>
      %dma_start3A_32 = tpu.memref_squeeze %dma_start3A_31 : memref<1x32768xf32, #tpu.memory_space<hbm>> -> memref<32768xf32, #tpu.memory_space<hbm>>
      tpu.enqueue_dma source(%dma_start3A_32 : memref<32768xf32, #tpu.memory_space<hbm>>) target(%arg10 : memref<32768xf32, #tpu.memory_space<vmem>>) target_semaphore(%run_scoped3A : memref<!tpu.dma_semaphore, #tpu.memory_space<semaphore_mem>>)
      %dma_wait3A_33 = arith.constant 0 : i32
      %dma_wait3A_34 = tpu.memref_slice %arg4[%select_n3A, %dma_wait3A_33] : memref<4x32768xf32, #tpu.memory_space<hbm>> -> memref<1x32768xf32, #tpu.memory_space<hbm>>
      %dma_wait3A_35 = tpu.memref_squeeze %dma_wait3A_34 : memref<1x32768xf32, #tpu.memory_space<hbm>> -> memref<32768xf32, #tpu.memory_space<hbm>>
      %dma_wait3A_36 = arith.constant 0 : i32
      %dma_wait3A_37 = tpu.memref_slice %arg4[%select_n3A, %dma_wait3A_36] : memref<4x32768xf32, #tpu.memory_space<hbm>> -> memref<1x32768xf32, #tpu.memory_space<hbm>>
      %dma_wait3A_38 = tpu.memref_squeeze %dma_wait3A_37 : memref<1x32768xf32, #tpu.memory_space<hbm>> -> memref<32768xf32, #tpu.memory_space<hbm>>
      tpu.wait_dma2 semaphore(%run_scoped3A : memref<!tpu.dma_semaphore, #tpu.memory_space<semaphore_mem>>) src(%dma_wait3A_38 : memref<32768xf32, #tpu.memory_space<hbm>>) dst(%arg10 : memref<32768xf32, #tpu.memory_space<vmem>>)
      tpu.yield
    }) : () -> ()
    "tpu.region"() ({
      %run_scoped3A = tpu.sem_alloc : memref<!tpu.dma_semaphore, #tpu.memory_space<semaphore_mem>>
      %dma_start3A = arith.constant 0 : i32
      %dma_start3A_28 = tpu.memref_slice %arg5[%add3A, %dma_start3A] : memref<32x160xf32, #tpu.memory_space<hbm>> -> memref<1x160xf32, #tpu.memory_space<hbm>>
      %dma_start3A_29 = tpu.memref_squeeze %dma_start3A_28 : memref<1x160xf32, #tpu.memory_space<hbm>> -> memref<160xf32, #tpu.memory_space<hbm>>
      %dma_start3A_30 = arith.constant 0 : i32
      %dma_start3A_31 = tpu.memref_slice %arg5[%add3A, %dma_start3A_30] : memref<32x160xf32, #tpu.memory_space<hbm>> -> memref<1x160xf32, #tpu.memory_space<hbm>>
      %dma_start3A_32 = tpu.memref_squeeze %dma_start3A_31 : memref<1x160xf32, #tpu.memory_space<hbm>> -> memref<160xf32, #tpu.memory_space<hbm>>
      tpu.enqueue_dma source(%dma_start3A_32 : memref<160xf32, #tpu.memory_space<hbm>>) target(%arg11 : memref<160xf32, #tpu.memory_space<vmem>>) target_semaphore(%run_scoped3A : memref<!tpu.dma_semaphore, #tpu.memory_space<semaphore_mem>>)
      %dma_wait3A_33 = arith.constant 0 : i32
      %dma_wait3A_34 = tpu.memref_slice %arg5[%add3A, %dma_wait3A_33] : memref<32x160xf32, #tpu.memory_space<hbm>> -> memref<1x160xf32, #tpu.memory_space<hbm>>
      %dma_wait3A_35 = tpu.memref_squeeze %dma_wait3A_34 : memref<1x160xf32, #tpu.memory_space<hbm>> -> memref<160xf32, #tpu.memory_space<hbm>>
      %dma_wait3A_36 = arith.constant 0 : i32
      %dma_wait3A_37 = tpu.memref_slice %arg5[%add3A, %dma_wait3A_36] : memref<32x160xf32, #tpu.memory_space<hbm>> -> memref<1x160xf32, #tpu.memory_space<hbm>>
      %dma_wait3A_38 = tpu.memref_squeeze %dma_wait3A_37 : memref<1x160xf32, #tpu.memory_space<hbm>> -> memref<160xf32, #tpu.memory_space<hbm>>
      tpu.wait_dma2 semaphore(%run_scoped3A : memref<!tpu.dma_semaphore, #tpu.memory_space<semaphore_mem>>) src(%dma_wait3A_38 : memref<160xf32, #tpu.memory_space<hbm>>) dst(%arg11 : memref<160xf32, #tpu.memory_space<vmem>>)
      tpu.yield
    }) : () -> ()
    %iota3A = tpu.iota {dimensions = array<i32: 0>} : vector<16xi32>
    %scan3A = arith.constant 0 : i32
    %scan3A_17 = arith.constant 0x7F800000 : f32
    %scan3A_18 = arith.constant 0 : i32
    %scan3A_19 = arith.constant 32 : i32
    %scan3A_20 = arith.addi %scan3A_18, %scan3A_19 : i32
    %scan3A_21 = arith.constant 1 : i32
    scf.for %scan3A_28 = %scan3A_18 to %scan3A_20 step %scan3A_21  : i32 {
      %broadcast_in_dim3A = vector.broadcast %scan3A_28 : i32 to vector<16xi32>
      %gather3A = tpu.vector_load_idx %arg11[%broadcast_in_dim3A] : memref<160xf32, #tpu.memory_space<vmem>>[vector<16xi32>], vector<16xf32>,
      %add3A_29 = arith.constant 32 : i32
      %add3A_30 = arith.addi %add3A_29, %scan3A_28 : i32
      %broadcast_in_dim3A_31 = vector.broadcast %add3A_30 : i32 to vector<16xi32>
      %gather3A_32 = tpu.vector_load_idx %arg11[%broadcast_in_dim3A_31] : memref<160xf32, #tpu.memory_space<vmem>>[vector<16xi32>], vector<16xf32>,
      %add3A_33 = arith.constant 64 : i32
      %add3A_34 = arith.addi %add3A_33, %scan3A_28 : i32
      %broadcast_in_dim3A_35 = vector.broadcast %add3A_34 : i32 to vector<16xi32>
      %gather3A_36 = tpu.vector_load_idx %arg11[%broadcast_in_dim3A_35] : memref<160xf32, #tpu.memory_space<vmem>>[vector<16xi32>], vector<16xf32>,
      %add3A_37 = arith.constant 128 : i32
      %add3A_38 = arith.addi %add3A_37, %scan3A_28 : i32
      %broadcast_in_dim3A_39 = vector.broadcast %add3A_38 : i32 to vector<16xi32>
      %gather3A_40 = tpu.vector_load_idx %arg11[%broadcast_in_dim3A_39] : memref<160xf32, #tpu.memory_space<vmem>>[vector<16xi32>], vector<16xf32>,
      %convert_element_type3A = arith.fptosi %gather3A_40 : vector<16xf32> to vector<16xi32>
      %sub3A_41 = arith.constant 1 : i32
      %sub3A_42 = vector.broadcast %sub3A_41 : i32 to vector<16xi32>
      %sub3A_43 = arith.subi %convert_element_type3A, %sub3A_42 : vector<16xi32>
      %mul3A_44 = arith.constant 8192 : i32
      %mul3A_45 = vector.broadcast %mul3A_44 : i32 to vector<16xi32>
      %mul3A_46 = arith.muli %sub3A_43, %mul3A_45 : vector<16xi32>
      %add3A_47 = arith.addi %mul3A_46, %iota3A : vector<16xi32>
      %broadcast_in_dim3A_48 = vector.broadcast %scan3A_17 : f32 to vector<16xf32>
      %broadcast_in_dim3A_49 = arith.constant 0 : i32
      %broadcast_in_dim3A_50 = vector.broadcast %broadcast_in_dim3A_49 : i32 to vector<16xi32>
      %scan3A_51 = arith.constant 0 : i32
      %scan3A_52 = arith.constant 64 : i32
      %scan3A_53 = arith.addi %scan3A_51, %scan3A_52 : i32
      %scan3A_54 = arith.constant 1 : i32
      %scan3A_55:16 = scf.for %scan3A_215 = %scan3A_51 to %scan3A_53 step %scan3A_54 iter_args(%scan3A_216 = %broadcast_in_dim3A_48, %scan3A_217 = %broadcast_in_dim3A_50, %scan3A_218 = %broadcast_in_dim3A_48, %scan3A_219 = %broadcast_in_dim3A_50, %scan3A_220 = %broadcast_in_dim3A_48, %scan3A_221 = %broadcast_in_dim3A_50, %scan3A_222 = %broadcast_in_dim3A_48, %scan3A_223 = %broadcast_in_dim3A_50, %scan3A_224 = %broadcast_in_dim3A_48, %scan3A_225 = %broadcast_in_dim3A_50, %scan3A_226 = %broadcast_in_dim3A_48, %scan3A_227 = %broadcast_in_dim3A_50, %scan3A_228 = %broadcast_in_dim3A_48, %scan3A_229 = %broadcast_in_dim3A_50, %scan3A_230 = %broadcast_in_dim3A_48, %scan3A_231 = %broadcast_in_dim3A_50) -> (vector<16xf32>, vector<16xi32>, vector<16xf32>, vector<16xi32>, vector<16xf32>, vector<16xi32>, vector<16xf32>, vector<16xi32>, vector<16xf32>, vector<16xi32>, vector<16xf32>, vector<16xi32>, vector<16xf32>, vector<16xi32>, vector<16xf32>, vector<16xi32>)  : i32 {
        %mul3A_232 = arith.constant 8 : i32
        %mul3A_233 = arith.muli %scan3A_215, %mul3A_232 : i32
        %add3A_234 = arith.constant 0 : i32
        %add3A_235 = arith.addi %mul3A_233, %add3A_234 : i32
        %mul3A_236 = arith.constant 16 : i32
        %mul3A_237 = arith.muli %add3A_235, %mul3A_236 : i32
        %add3A_238 = vector.broadcast %mul3A_237 : i32 to vector<16xi32>
        %add3A_239 = arith.addi %add3A_47, %add3A_238 : vector<16xi32>
        %gather3A_240 = tpu.vector_load_idx %arg8[%add3A_239] : memref<32768xf32, #tpu.memory_space<vmem>>[vector<16xi32>], vector<16xf32>,
        %gather3A_241 = tpu.vector_load_idx %arg9[%add3A_239] : memref<32768xf32, #tpu.memory_space<vmem>>[vector<16xi32>], vector<16xf32>,
        %gather3A_242 = tpu.vector_load_idx %arg10[%add3A_239] : memref<32768xf32, #tpu.memory_space<vmem>>[vector<16xi32>], vector<16xf32>,
        %sub3A_243 = arith.subf %gather3A_240, %gather3A : vector<16xf32>
        %sub3A_244 = arith.subf %gather3A_241, %gather3A_32 : vector<16xf32>
        %sub3A_245 = arith.subf %gather3A_242, %gather3A_36 : vector<16xf32>
        %mul3A_246 = arith.mulf %sub3A_243, %sub3A_243 : vector<16xf32>
        %mul3A_247 = arith.mulf %sub3A_244, %sub3A_244 : vector<16xf32>
        %add3A_248 = arith.addf %mul3A_246, %mul3A_247 : vector<16xf32>
        %mul3A_249 = arith.mulf %sub3A_245, %sub3A_245 : vector<16xf32>
        %add3A_250 = arith.addf %add3A_248, %mul3A_249 : vector<16xf32>
        %masked_sort3A_251 = arith.constant dense<true> : vector<16xi1>
        %masked_sort3A_252, %masked_sort3A_253, %masked_sort3A_254 = tpu.sort %add3A_250, %add3A_239 masked %masked_sort3A_251 : (vector<16xf32>, vector<16xi32>, vector<16xi1>) -> (vector<16xi1>, vector<16xf32>, vector<16xi32>)
        %lt3A_255 = arith.cmpf olt, %masked_sort3A_253, %scan3A_216 : vector<16xf32>
        %select_n3A_256 = arith.select %lt3A_255, %masked_sort3A_253, %scan3A_216 : vector<16xi1>, vector<16xf32>
        %select_n3A_257 = arith.select %lt3A_255, %masked_sort3A_254, %scan3A_217 : vector<16xi1>, vector<16xi32>
        %masked_sort3A_258 = arith.constant dense<true> : vector<16xi1>
        %masked_sort3A_259, %masked_sort3A_260, %masked_sort3A_261 = tpu.sort %select_n3A_256, %select_n3A_257 masked %masked_sort3A_258 {descending = true} : (vector<16xf32>, vector<16xi32>, vector<16xi1>) -> (vector<16xi1>, vector<16xf32>, vector<16xi32>)
        %mul3A_262 = arith.constant 8 : i32
        %mul3A_263 = arith.muli %scan3A_215, %mul3A_262 : i32
        %add3A_264 = arith.constant 1 : i32
        %add3A_265 = arith.addi %mul3A_263, %add3A_264 : i32
        %mul3A_266 = arith.constant 16 : i32
        %mul3A_267 = arith.muli %add3A_265, %mul3A_266 : i32
        %add3A_268 = vector.broadcast %mul3A_267 : i32 to vector<16xi32>
        %add3A_269 = arith.addi %add3A_47, %add3A_268 : vector<16xi32>
        %gather3A_270 = tpu.vector_load_idx %arg8[%add3A_269] : memref<32768xf32, #tpu.memory_space<vmem>>[vector<16xi32>], vector<16xf32>,
        %gather3A_271 = tpu.vector_load_idx %arg9[%add3A_269] : memref<32768xf32, #tpu.memory_space<vmem>>[vector<16xi32>], vector<16xf32>,
        %gather3A_272 = tpu.vector_load_idx %arg10[%add3A_269] : memref<32768xf32, #tpu.memory_space<vmem>>[vector<16xi32>], vector<16xf32>,
        %sub3A_273 = arith.subf %gather3A_270, %gather3A : vector<16xf32>
        %sub3A_274 = arith.subf %gather3A_271, %gather3A_32 : vector<16xf32>
        %sub3A_275 = arith.subf %gather3A_272, %gather3A_36 : vector<16xf32>
        %mul3A_276 = arith.mulf %sub3A_273, %sub3A_273 : vector<16xf32>
        %mul3A_277 = arith.mulf %sub3A_274, %sub3A_274 : vector<16xf32>
        %add3A_278 = arith.addf %mul3A_276, %mul3A_277 : vector<16xf32>
        %mul3A_279 = arith.mulf %sub3A_275, %sub3A_275 : vector<16xf32>
        %add3A_280 = arith.addf %add3A_278, %mul3A_279 : vector<16xf32>
        %masked_sort3A_281 = arith.constant dense<true> : vector<16xi1>
        %masked_sort3A_282, %masked_sort3A_283, %masked_sort3A_284 = tpu.sort %add3A_280, %add3A_269 masked %masked_sort3A_281 : (vector<16xf32>, vector<16xi32>, vector<16xi1>) -> (vector<16xi1>, vector<16xf32>, vector<16xi32>)
        %lt3A_285 = arith.cmpf olt, %masked_sort3A_283, %scan3A_218 : vector<16xf32>
        %select_n3A_286 = arith.select %lt3A_285, %masked_sort3A_283, %scan3A_218 : vector<16xi1>, vector<16xf32>
        %select_n3A_287 = arith.select %lt3A_285, %masked_sort3A_284, %scan3A_219 : vector<16xi1>, vector<16xi32>
        %masked_sort3A_288 = arith.constant dense<true> : vector<16xi1>
        %masked_sort3A_289, %masked_sort3A_290, %masked_sort3A_291 = tpu.sort %select_n3A_286, %select_n3A_287 masked %masked_sort3A_288 {descending = true} : (vector<16xf32>, vector<16xi32>, vector<16xi1>) -> (vector<16xi1>, vector<16xf32>, vector<16xi32>)
        %mul3A_292 = arith.constant 8 : i32
        %mul3A_293 = arith.muli %scan3A_215, %mul3A_292 : i32
        %add3A_294 = arith.constant 2 : i32
        %add3A_295 = arith.addi %mul3A_293, %add3A_294 : i32
        %mul3A_296 = arith.constant 16 : i32
        %mul3A_297 = arith.muli %add3A_295, %mul3A_296 : i32
        %add3A_298 = vector.broadcast %mul3A_297 : i32 to vector<16xi32>
        %add3A_299 = arith.addi %add3A_47, %add3A_298 : vector<16xi32>
        %gather3A_300 = tpu.vector_load_idx %arg8[%add3A_299] : memref<32768xf32, #tpu.memory_space<vmem>>[vector<16xi32>], vector<16xf32>,
        %gather3A_301 = tpu.vector_load_idx %arg9[%add3A_299] : memref<32768xf32, #tpu.memory_space<vmem>>[vector<16xi32>], vector<16xf32>,
        %gather3A_302 = tpu.vector_load_idx %arg10[%add3A_299] : memref<32768xf32, #tpu.memory_space<vmem>>[vector<16xi32>], vector<16xf32>,
        %sub3A_303 = arith.subf %gather3A_300, %gather3A : vector<16xf32>
        %sub3A_304 = arith.subf %gather3A_301, %gather3A_32 : vector<16xf32>
        %sub3A_305 = arith.subf %gather3A_302, %gather3A_36 : vector<16xf32>
        %mul3A_306 = arith.mulf %sub3A_303, %sub3A_303 : vector<16xf32>
        %mul3A_307 = arith.mulf %sub3A_304, %sub3A_304 : vector<16xf32>
        %add3A_308 = arith.addf %mul3A_306, %mul3A_307 : vector<16xf32>
        %mul3A_309 = arith.mulf %sub3A_305, %sub3A_305 : vector<16xf32>
        %add3A_310 = arith.addf %add3A_308, %mul3A_309 : vector<16xf32>
        %masked_sort3A_311 = arith.constant dense<true> : vector<16xi1>
        %masked_sort3A_312, %masked_sort3A_313, %masked_sort3A_314 = tpu.sort %add3A_310, %add3A_299 masked %masked_sort3A_311 : (vector<16xf32>, vector<16xi32>, vector<16xi1>) -> (vector<16xi1>, vector<16xf32>, vector<16xi32>)
        %lt3A_315 = arith.cmpf olt, %masked_sort3A_313, %scan3A_220 : vector<16xf32>
        %select_n3A_316 = arith.select %lt3A_315, %masked_sort3A_313, %scan3A_220 : vector<16xi1>, vector<16xf32>
        %select_n3A_317 = arith.select %lt3A_315, %masked_sort3A_314, %scan3A_221 : vector<16xi1>, vector<16xi32>
        %masked_sort3A_318 = arith.constant dense<true> : vector<16xi1>
        %masked_sort3A_319, %masked_sort3A_320, %masked_sort3A_321 = tpu.sort %select_n3A_316, %select_n3A_317 masked %masked_sort3A_318 {descending = true} : (vector<16xf32>, vector<16xi32>, vector<16xi1>) -> (vector<16xi1>, vector<16xf32>, vector<16xi32>)
        %mul3A_322 = arith.constant 8 : i32
        %mul3A_323 = arith.muli %scan3A_215, %mul3A_322 : i32
        %add3A_324 = arith.constant 3 : i32
        %add3A_325 = arith.addi %mul3A_323, %add3A_324 : i32
        %mul3A_326 = arith.constant 16 : i32
        %mul3A_327 = arith.muli %add3A_325, %mul3A_326 : i32
        %add3A_328 = vector.broadcast %mul3A_327 : i32 to vector<16xi32>
        %add3A_329 = arith.addi %add3A_47, %add3A_328 : vector<16xi32>
        %gather3A_330 = tpu.vector_load_idx %arg8[%add3A_329] : memref<32768xf32, #tpu.memory_space<vmem>>[vector<16xi32>], vector<16xf32>,
        %gather3A_331 = tpu.vector_load_idx %arg9[%add3A_329] : memref<32768xf32, #tpu.memory_space<vmem>>[vector<16xi32>], vector<16xf32>,
        %gather3A_332 = tpu.vector_load_idx %arg10[%add3A_329] : memref<32768xf32, #tpu.memory_space<vmem>>[vector<16xi32>], vector<16xf32>,
        %sub3A_333 = arith.subf %gather3A_330, %gather3A : vector<16xf32>
        %sub3A_334 = arith.subf %gather3A_331, %gather3A_32 : vector<16xf32>
        %sub3A_335 = arith.subf %gather3A_332, %gather3A_36 : vector<16xf32>
        %mul3A_336 = arith.mulf %sub3A_333, %sub3A_333 : vector<16xf32>
        %mul3A_337 = arith.mulf %sub3A_334, %sub3A_334 : vector<16xf32>
        %add3A_338 = arith.addf %mul3A_336, %mul3A_337 : vector<16xf32>
        %mul3A_339 = arith.mulf %sub3A_335, %sub3A_335 : vector<16xf32>
        %add3A_340 = arith.addf %add3A_338, %mul3A_339 : vector<16xf32>
        %masked_sort3A_341 = arith.constant dense<true> : vector<16xi1>
        %masked_sort3A_342, %masked_sort3A_343, %masked_sort3A_344 = tpu.sort %add3A_340, %add3A_329 masked %masked_sort3A_341 : (vector<16xf32>, vector<16xi32>, vector<16xi1>) -> (vector<16xi1>, vector<16xf32>, vector<16xi32>)
        %lt3A_345 = arith.cmpf olt, %masked_sort3A_343, %scan3A_222 : vector<16xf32>
        %select_n3A_346 = arith.select %lt3A_345, %masked_sort3A_343, %scan3A_222 : vector<16xi1>, vector<16xf32>
        %select_n3A_347 = arith.select %lt3A_345, %masked_sort3A_344, %scan3A_223 : vector<16xi1>, vector<16xi32>
        %masked_sort3A_348 = arith.constant dense<true> : vector<16xi1>
        %masked_sort3A_349, %masked_sort3A_350, %masked_sort3A_351 = tpu.sort %select_n3A_346, %select_n3A_347 masked %masked_sort3A_348 {descending = true} : (vector<16xf32>, vector<16xi32>, vector<16xi1>) -> (vector<16xi1>, vector<16xf32>, vector<16xi32>)
        %mul3A_352 = arith.constant 8 : i32
        %mul3A_353 = arith.muli %scan3A_215, %mul3A_352 : i32
        %add3A_354 = arith.constant 4 : i32
        %add3A_355 = arith.addi %mul3A_353, %add3A_354 : i32
        %mul3A_356 = arith.constant 16 : i32
        %mul3A_357 = arith.muli %add3A_355, %mul3A_356 : i32
        %add3A_358 = vector.broadcast %mul3A_357 : i32 to vector<16xi32>
        %add3A_359 = arith.addi %add3A_47, %add3A_358 : vector<16xi32>
        %gather3A_360 = tpu.vector_load_idx %arg8[%add3A_359] : memref<32768xf32, #tpu.memory_space<vmem>>[vector<16xi32>], vector<16xf32>,
        %gather3A_361 = tpu.vector_load_idx %arg9[%add3A_359] : memref<32768xf32, #tpu.memory_space<vmem>>[vector<16xi32>], vector<16xf32>,
        %gather3A_362 = tpu.vector_load_idx %arg10[%add3A_359] : memref<32768xf32, #tpu.memory_space<vmem>>[vector<16xi32>], vector<16xf32>,
        %sub3A_363 = arith.subf %gather3A_360, %gather3A : vector<16xf32>
        %sub3A_364 = arith.subf %gather3A_361, %gather3A_32 : vector<16xf32>
        %sub3A_365 = arith.subf %gather3A_362, %gather3A_36 : vector<16xf32>
        %mul3A_366 = arith.mulf %sub3A_363, %sub3A_363 : vector<16xf32>
        %mul3A_367 = arith.mulf %sub3A_364, %sub3A_364 : vector<16xf32>
        %add3A_368 = arith.addf %mul3A_366, %mul3A_367 : vector<16xf32>
        %mul3A_369 = arith.mulf %sub3A_365, %sub3A_365 : vector<16xf32>
        %add3A_370 = arith.addf %add3A_368, %mul3A_369 : vector<16xf32>
        %masked_sort3A_371 = arith.constant dense<true> : vector<16xi1>
        %masked_sort3A_372, %masked_sort3A_373, %masked_sort3A_374 = tpu.sort %add3A_370, %add3A_359 masked %masked_sort3A_371 : (vector<16xf32>, vector<16xi32>, vector<16xi1>) -> (vector<16xi1>, vector<16xf32>, vector<16xi32>)
        %lt3A_375 = arith.cmpf olt, %masked_sort3A_373, %scan3A_224 : vector<16xf32>
        %select_n3A_376 = arith.select %lt3A_375, %masked_sort3A_373, %scan3A_224 : vector<16xi1>, vector<16xf32>
        %select_n3A_377 = arith.select %lt3A_375, %masked_sort3A_374, %scan3A_225 : vector<16xi1>, vector<16xi32>
        %masked_sort3A_378 = arith.constant dense<true> : vector<16xi1>
        %masked_sort3A_379, %masked_sort3A_380, %masked_sort3A_381 = tpu.sort %select_n3A_376, %select_n3A_377 masked %masked_sort3A_378 {descending = true} : (vector<16xf32>, vector<16xi32>, vector<16xi1>) -> (vector<16xi1>, vector<16xf32>, vector<16xi32>)
        %mul3A_382 = arith.constant 8 : i32
        %mul3A_383 = arith.muli %scan3A_215, %mul3A_382 : i32
        %add3A_384 = arith.constant 5 : i32
        %add3A_385 = arith.addi %mul3A_383, %add3A_384 : i32
        %mul3A_386 = arith.constant 16 : i32
        %mul3A_387 = arith.muli %add3A_385, %mul3A_386 : i32
        %add3A_388 = vector.broadcast %mul3A_387 : i32 to vector<16xi32>
        %add3A_389 = arith.addi %add3A_47, %add3A_388 : vector<16xi32>
        %gather3A_390 = tpu.vector_load_idx %arg8[%add3A_389] : memref<32768xf32, #tpu.memory_space<vmem>>[vector<16xi32>], vector<16xf32>,
        %gather3A_391 = tpu.vector_load_idx %arg9[%add3A_389] : memref<32768xf32, #tpu.memory_space<vmem>>[vector<16xi32>], vector<16xf32>,
        %gather3A_392 = tpu.vector_load_idx %arg10[%add3A_389] : memref<32768xf32, #tpu.memory_space<vmem>>[vector<16xi32>], vector<16xf32>,
        %sub3A_393 = arith.subf %gather3A_390, %gather3A : vector<16xf32>
        %sub3A_394 = arith.subf %gather3A_391, %gather3A_32 : vector<16xf32>
        %sub3A_395 = arith.subf %gather3A_392, %gather3A_36 : vector<16xf32>
        %mul3A_396 = arith.mulf %sub3A_393, %sub3A_393 : vector<16xf32>
        %mul3A_397 = arith.mulf %sub3A_394, %sub3A_394 : vector<16xf32>
        %add3A_398 = arith.addf %mul3A_396, %mul3A_397 : vector<16xf32>
        %mul3A_399 = arith.mulf %sub3A_395, %sub3A_395 : vector<16xf32>
        %add3A_400 = arith.addf %add3A_398, %mul3A_399 : vector<16xf32>
        %masked_sort3A_401 = arith.constant dense<true> : vector<16xi1>
        %masked_sort3A_402, %masked_sort3A_403, %masked_sort3A_404 = tpu.sort %add3A_400, %add3A_389 masked %masked_sort3A_401 : (vector<16xf32>, vector<16xi32>, vector<16xi1>) -> (vector<16xi1>, vector<16xf32>, vector<16xi32>)
        %lt3A_405 = arith.cmpf olt, %masked_sort3A_403, %scan3A_226 : vector<16xf32>
        %select_n3A_406 = arith.select %lt3A_405, %masked_sort3A_403, %scan3A_226 : vector<16xi1>, vector<16xf32>
        %select_n3A_407 = arith.select %lt3A_405, %masked_sort3A_404, %scan3A_227 : vector<16xi1>, vector<16xi32>
        %masked_sort3A_408 = arith.constant dense<true> : vector<16xi1>
        %masked_sort3A_409, %masked_sort3A_410, %masked_sort3A_411 = tpu.sort %select_n3A_406, %select_n3A_407 masked %masked_sort3A_408 {descending = true} : (vector<16xf32>, vector<16xi32>, vector<16xi1>) -> (vector<16xi1>, vector<16xf32>, vector<16xi32>)
        %mul3A_412 = arith.constant 8 : i32
        %mul3A_413 = arith.muli %scan3A_215, %mul3A_412 : i32
        %add3A_414 = arith.constant 6 : i32
        %add3A_415 = arith.addi %mul3A_413, %add3A_414 : i32
        %mul3A_416 = arith.constant 16 : i32
        %mul3A_417 = arith.muli %add3A_415, %mul3A_416 : i32
        %add3A_418 = vector.broadcast %mul3A_417 : i32 to vector<16xi32>
        %add3A_419 = arith.addi %add3A_47, %add3A_418 : vector<16xi32>
        %gather3A_420 = tpu.vector_load_idx %arg8[%add3A_419] : memref<32768xf32, #tpu.memory_space<vmem>>[vector<16xi32>], vector<16xf32>,
        %gather3A_421 = tpu.vector_load_idx %arg9[%add3A_419] : memref<32768xf32, #tpu.memory_space<vmem>>[vector<16xi32>], vector<16xf32>,
        %gather3A_422 = tpu.vector_load_idx %arg10[%add3A_419] : memref<32768xf32, #tpu.memory_space<vmem>>[vector<16xi32>], vector<16xf32>,
        %sub3A_423 = arith.subf %gather3A_420, %gather3A : vector<16xf32>
        %sub3A_424 = arith.subf %gather3A_421, %gather3A_32 : vector<16xf32>
        %sub3A_425 = arith.subf %gather3A_422, %gather3A_36 : vector<16xf32>
        %mul3A_426 = arith.mulf %sub3A_423, %sub3A_423 : vector<16xf32>
        %mul3A_427 = arith.mulf %sub3A_424, %sub3A_424 : vector<16xf32>
        %add3A_428 = arith.addf %mul3A_426, %mul3A_427 : vector<16xf32>
        %mul3A_429 = arith.mulf %sub3A_425, %sub3A_425 : vector<16xf32>
        %add3A_430 = arith.addf %add3A_428, %mul3A_429 : vector<16xf32>
        %masked_sort3A_431 = arith.constant dense<true> : vector<16xi1>
        %masked_sort3A_432, %masked_sort3A_433, %masked_sort3A_434 = tpu.sort %add3A_430, %add3A_419 masked %masked_sort3A_431 : (vector<16xf32>, vector<16xi32>, vector<16xi1>) -> (vector<16xi1>, vector<16xf32>, vector<16xi32>)
        %lt3A_435 = arith.cmpf olt, %masked_sort3A_433, %scan3A_228 : vector<16xf32>
        %select_n3A_436 = arith.select %lt3A_435, %masked_sort3A_433, %scan3A_228 : vector<16xi1>, vector<16xf32>
        %select_n3A_437 = arith.select %lt3A_435, %masked_sort3A_434, %scan3A_229 : vector<16xi1>, vector<16xi32>
        %masked_sort3A_438 = arith.constant dense<true> : vector<16xi1>
        %masked_sort3A_439, %masked_sort3A_440, %masked_sort3A_441 = tpu.sort %select_n3A_436, %select_n3A_437 masked %masked_sort3A_438 {descending = true} : (vector<16xf32>, vector<16xi32>, vector<16xi1>) -> (vector<16xi1>, vector<16xf32>, vector<16xi32>)
        %mul3A_442 = arith.constant 8 : i32
        %mul3A_443 = arith.muli %scan3A_215, %mul3A_442 : i32
        %add3A_444 = arith.constant 7 : i32
        %add3A_445 = arith.addi %mul3A_443, %add3A_444 : i32
        %mul3A_446 = arith.constant 16 : i32
        %mul3A_447 = arith.muli %add3A_445, %mul3A_446 : i32
        %add3A_448 = vector.broadcast %mul3A_447 : i32 to vector<16xi32>
        %add3A_449 = arith.addi %add3A_47, %add3A_448 : vector<16xi32>
        %gather3A_450 = tpu.vector_load_idx %arg8[%add3A_449] : memref<32768xf32, #tpu.memory_space<vmem>>[vector<16xi32>], vector<16xf32>,
        %gather3A_451 = tpu.vector_load_idx %arg9[%add3A_449] : memref<32768xf32, #tpu.memory_space<vmem>>[vector<16xi32>], vector<16xf32>,
        %gather3A_452 = tpu.vector_load_idx %arg10[%add3A_449] : memref<32768xf32, #tpu.memory_space<vmem>>[vector<16xi32>], vector<16xf32>,
        %sub3A_453 = arith.subf %gather3A_450, %gather3A : vector<16xf32>
        %sub3A_454 = arith.subf %gather3A_451, %gather3A_32 : vector<16xf32>
        %sub3A_455 = arith.subf %gather3A_452, %gather3A_36 : vector<16xf32>
        %mul3A_456 = arith.mulf %sub3A_453, %sub3A_453 : vector<16xf32>
        %mul3A_457 = arith.mulf %sub3A_454, %sub3A_454 : vector<16xf32>
        %add3A_458 = arith.addf %mul3A_456, %mul3A_457 : vector<16xf32>
        %mul3A_459 = arith.mulf %sub3A_455, %sub3A_455 : vector<16xf32>
        %add3A_460 = arith.addf %add3A_458, %mul3A_459 : vector<16xf32>
        %masked_sort3A_461 = arith.constant dense<true> : vector<16xi1>
        %masked_sort3A_462, %masked_sort3A_463, %masked_sort3A_464 = tpu.sort %add3A_460, %add3A_449 masked %masked_sort3A_461 : (vector<16xf32>, vector<16xi32>, vector<16xi1>) -> (vector<16xi1>, vector<16xf32>, vector<16xi32>)
        %lt3A_465 = arith.cmpf olt, %masked_sort3A_463, %scan3A_230 : vector<16xf32>
        %select_n3A_466 = arith.select %lt3A_465, %masked_sort3A_463, %scan3A_230 : vector<16xi1>, vector<16xf32>
        %select_n3A_467 = arith.select %lt3A_465, %masked_sort3A_464, %scan3A_231 : vector<16xi1>, vector<16xi32>
        %masked_sort3A_468 = arith.constant dense<true> : vector<16xi1>
        %masked_sort3A_469, %masked_sort3A_470, %masked_sort3A_471 = tpu.sort %select_n3A_466, %select_n3A_467 masked %masked_sort3A_468 {descending = true} : (vector<16xf32>, vector<16xi32>, vector<16xi1>) -> (vector<16xi1>, vector<16xf32>, vector<16xi32>)
        scf.yield %masked_sort3A_260, %masked_sort3A_261, %masked_sort3A_290, %masked_sort3A_291, %masked_sort3A_320, %masked_sort3A_321, %masked_sort3A_350, %masked_sort3A_351, %masked_sort3A_380, %masked_sort3A_381, %masked_sort3A_410, %masked_sort3A_411, %masked_sort3A_440, %masked_sort3A_441, %masked_sort3A_470, %masked_sort3A_471 : vector<16xf32>, vector<16xi32>, vector<16xf32>, vector<16xi32>, vector<16xf32>, vector<16xi32>, vector<16xf32>, vector<16xi32>, vector<16xf32>, vector<16xi32>, vector<16xf32>, vector<16xi32>, vector<16xf32>, vector<16xi32>, vector<16xf32>, vector<16xi32>
      }
      %scan3A_56 = arith.constant 64 : i32
      %rev3A = arith.constant 15 : i32
      %rev3A_57 = vector.broadcast %rev3A : i32 to vector<16xi32>
      %rev3A_58 = tpu.iota {dimensions = array<i32: 0>} : vector<16xi32>
      %rev3A_59 = arith.subi %rev3A_57, %rev3A_58 : vector<16xi32>
      %rev3A_60 = tpu.dynamic_gather %scan3A_55#2[%rev3A_59] in [0] : vector<16xf32>, vector<16xi32> -> vector<16xf32>
      %rev3A_61 = arith.constant 15 : i32
      %rev3A_62 = vector.broadcast %rev3A_61 : i32 to vector<16xi32>
      %rev3A_63 = tpu.iota {dimensions = array<i32: 0>} : vector<16xi32>
      %rev3A_64 = arith.subi %rev3A_62, %rev3A_63 : vector<16xi32>
      %rev3A_65 = tpu.dynamic_gather %scan3A_55#3[%rev3A_64] in [0] : vector<16xi32>, vector<16xi32> -> vector<16xi32>
      %lt3A = arith.cmpf olt, %rev3A_60, %scan3A_55#0 : vector<16xf32>
      %select_n3A_66 = arith.select %lt3A, %rev3A_60, %scan3A_55#0 : vector<16xi1>, vector<16xf32>
      %select_n3A_67 = arith.select %lt3A, %rev3A_65, %scan3A_55#1 : vector<16xi1>, vector<16xi32>
      %masked_sort3A = arith.constant dense<true> : vector<16xi1>
      %masked_sort3A_68, %masked_sort3A_69, %masked_sort3A_70 = tpu.sort %select_n3A_66, %select_n3A_67 masked %masked_sort3A {descending = true} : (vector<16xf32>, vector<16xi32>, vector<16xi1>) -> (vector<16xi1>, vector<16xf32>, vector<16xi32>)
      %rev3A_71 = arith.constant 15 : i32
      %rev3A_72 = vector.broadcast %rev3A_71 : i32 to vector<16xi32>
      %rev3A_73 = tpu.iota {dimensions = array<i32: 0>} : vector<16xi32>
      %rev3A_74 = arith.subi %rev3A_72, %rev3A_73 : vector<16xi32>
      %rev3A_75 = tpu.dynamic_gather %scan3A_55#6[%rev3A_74] in [0] : vector<16xf32>, vector<16xi32> -> vector<16xf32>
      %rev3A_76 = arith.constant 15 : i32
      %rev3A_77 = vector.broadcast %rev3A_76 : i32 to vector<16xi32>
      %rev3A_78 = tpu.iota {dimensions = array<i32: 0>} : vector<16xi32>
      %rev3A_79 = arith.subi %rev3A_77, %rev3A_78 : vector<16xi32>
      %rev3A_80 = tpu.dynamic_gather %scan3A_55#7[%rev3A_79] in [0] : vector<16xi32>, vector<16xi32> -> vector<16xi32>
      %lt3A_81 = arith.cmpf olt, %rev3A_75, %scan3A_55#4 : vector<16xf32>
      %select_n3A_82 = arith.select %lt3A_81, %rev3A_75, %scan3A_55#4 : vector<16xi1>, vector<16xf32>
      %select_n3A_83 = arith.select %lt3A_81, %rev3A_80, %scan3A_55#5 : vector<16xi1>, vector<16xi32>
      %masked_sort3A_84 = arith.constant dense<true> : vector<16xi1>
      %masked_sort3A_85, %masked_sort3A_86, %masked_sort3A_87 = tpu.sort %select_n3A_82, %select_n3A_83 masked %masked_sort3A_84 {descending = true} : (vector<16xf32>, vector<16xi32>, vector<16xi1>) -> (vector<16xi1>, vector<16xf32>, vector<16xi32>)
      %rev3A_88 = arith.constant 15 : i32
      %rev3A_89 = vector.broadcast %rev3A_88 : i32 to vector<16xi32>
      %rev3A_90 = tpu.iota {dimensions = array<i32: 0>} : vector<16xi32>
      %rev3A_91 = arith.subi %rev3A_89, %rev3A_90 : vector<16xi32>
      %rev3A_92 = tpu.dynamic_gather %scan3A_55#10[%rev3A_91] in [0] : vector<16xf32>, vector<16xi32> -> vector<16xf32>
      %rev3A_93 = arith.constant 15 : i32
      %rev3A_94 = vector.broadcast %rev3A_93 : i32 to vector<16xi32>
      %rev3A_95 = tpu.iota {dimensions = array<i32: 0>} : vector<16xi32>
      %rev3A_96 = arith.subi %rev3A_94, %rev3A_95 : vector<16xi32>
      %rev3A_97 = tpu.dynamic_gather %scan3A_55#11[%rev3A_96] in [0] : vector<16xi32>, vector<16xi32> -> vector<16xi32>
      %lt3A_98 = arith.cmpf olt, %rev3A_92, %scan3A_55#8 : vector<16xf32>
      %select_n3A_99 = arith.select %lt3A_98, %rev3A_92, %scan3A_55#8 : vector<16xi1>, vector<16xf32>
      %select_n3A_100 = arith.select %lt3A_98, %rev3A_97, %scan3A_55#9 : vector<16xi1>, vector<16xi32>
      %masked_sort3A_101 = arith.constant dense<true> : vector<16xi1>
      %masked_sort3A_102, %masked_sort3A_103, %masked_sort3A_104 = tpu.sort %select_n3A_99, %select_n3A_100 masked %masked_sort3A_101 {descending = true} : (vector<16xf32>, vector<16xi32>, vector<16xi1>) -> (vector<16xi1>, vector<16xf32>, vector<16xi32>)
      %rev3A_105 = arith.constant 15 : i32
      %rev3A_106 = vector.broadcast %rev3A_105 : i32 to vector<16xi32>
      %rev3A_107 = tpu.iota {dimensions = array<i32: 0>} : vector<16xi32>
      %rev3A_108 = arith.subi %rev3A_106, %rev3A_107 : vector<16xi32>
      %rev3A_109 = tpu.dynamic_gather %scan3A_55#14[%rev3A_108] in [0] : vector<16xf32>, vector<16xi32> -> vector<16xf32>
      %rev3A_110 = arith.constant 15 : i32
      %rev3A_111 = vector.broadcast %rev3A_110 : i32 to vector<16xi32>
      %rev3A_112 = tpu.iota {dimensions = array<i32: 0>} : vector<16xi32>
      %rev3A_113 = arith.subi %rev3A_111, %rev3A_112 : vector<16xi32>
      %rev3A_114 = tpu.dynamic_gather %scan3A_55#15[%rev3A_113] in [0] : vector<16xi32>, vector<16xi32> -> vector<16xi32>
      %lt3A_115 = arith.cmpf olt, %rev3A_109, %scan3A_55#12 : vector<16xf32>
      %select_n3A_116 = arith.select %lt3A_115, %rev3A_109, %scan3A_55#12 : vector<16xi1>, vector<16xf32>
      %select_n3A_117 = arith.select %lt3A_115, %rev3A_114, %scan3A_55#13 : vector<16xi1>, vector<16xi32>
      %masked_sort3A_118 = arith.constant dense<true> : vector<16xi1>
      %masked_sort3A_119, %masked_sort3A_120, %masked_sort3A_121 = tpu.sort %select_n3A_116, %select_n3A_117 masked %masked_sort3A_118 {descending = true} : (vector<16xf32>, vector<16xi32>, vector<16xi1>) -> (vector<16xi1>, vector<16xf32>, vector<16xi32>)
      %rev3A_122 = arith.constant 15 : i32
      %rev3A_123 = vector.broadcast %rev3A_122 : i32 to vector<16xi32>
      %rev3A_124 = tpu.iota {dimensions = array<i32: 0>} : vector<16xi32>
      %rev3A_125 = arith.subi %rev3A_123, %rev3A_124 : vector<16xi32>
      %rev3A_126 = tpu.dynamic_gather %masked_sort3A_86[%rev3A_125] in [0] : vector<16xf32>, vector<16xi32> -> vector<16xf32>
      %rev3A_127 = arith.constant 15 : i32
      %rev3A_128 = vector.broadcast %rev3A_127 : i32 to vector<16xi32>
      %rev3A_129 = tpu.iota {dimensions = array<i32: 0>} : vector<16xi32>
      %rev3A_130 = arith.subi %rev3A_128, %rev3A_129 : vector<16xi32>
      %rev3A_131 = tpu.dynamic_gather %masked_sort3A_87[%rev3A_130] in [0] : vector<16xi32>, vector<16xi32> -> vector<16xi32>
      %lt3A_132 = arith.cmpf olt, %rev3A_126, %masked_sort3A_69 : vector<16xf32>
      %select_n3A_133 = arith.select %lt3A_132, %rev3A_126, %masked_sort3A_69 : vector<16xi1>, vector<16xf32>
      %select_n3A_134 = arith.select %lt3A_132, %rev3A_131, %masked_sort3A_70 : vector<16xi1>, vector<16xi32>
      %masked_sort3A_135 = arith.constant dense<true> : vector<16xi1>
      %masked_sort3A_136, %masked_sort3A_137, %masked_sort3A_138 = tpu.sort %select_n3A_133, %select_n3A_134 masked %masked_sort3A_135 {descending = true} : (vector<16xf32>, vector<16xi32>, vector<16xi1>) -> (vector<16xi1>, vector<16xf32>, vector<16xi32>)
      %rev3A_139 = arith.constant 15 : i32
      %rev3A_140 = vector.broadcast %rev3A_139 : i32 to vector<16xi32>
      %rev3A_141 = tpu.iota {dimensions = array<i32: 0>} : vector<16xi32>
      %rev3A_142 = arith.subi %rev3A_140, %rev3A_141 : vector<16xi32>
      %rev3A_143 = tpu.dynamic_gather %masked_sort3A_120[%rev3A_142] in [0] : vector<16xf32>, vector<16xi32> -> vector<16xf32>
      %rev3A_144 = arith.constant 15 : i32
      %rev3A_145 = vector.broadcast %rev3A_144 : i32 to vector<16xi32>
      %rev3A_146 = tpu.iota {dimensions = array<i32: 0>} : vector<16xi32>
      %rev3A_147 = arith.subi %rev3A_145, %rev3A_146 : vector<16xi32>
      %rev3A_148 = tpu.dynamic_gather %masked_sort3A_121[%rev3A_147] in [0] : vector<16xi32>, vector<16xi32> -> vector<16xi32>
      %lt3A_149 = arith.cmpf olt, %rev3A_143, %masked_sort3A_103 : vector<16xf32>
      %select_n3A_150 = arith.select %lt3A_149, %rev3A_143, %masked_sort3A_103 : vector<16xi1>, vector<16xf32>
      %select_n3A_151 = arith.select %lt3A_149, %rev3A_148, %masked_sort3A_104 : vector<16xi1>, vector<16xi32>
      %masked_sort3A_152 = arith.constant dense<true> : vector<16xi1>
      %masked_sort3A_153, %masked_sort3A_154, %masked_sort3A_155 = tpu.sort %select_n3A_150, %select_n3A_151 masked %masked_sort3A_152 {descending = true} : (vector<16xf32>, vector<16xi32>, vector<16xi1>) -> (vector<16xi1>, vector<16xf32>, vector<16xi32>)
      %rev3A_156 = arith.constant 15 : i32
      %rev3A_157 = vector.broadcast %rev3A_156 : i32 to vector<16xi32>
      %rev3A_158 = tpu.iota {dimensions = array<i32: 0>} : vector<16xi32>
      %rev3A_159 = arith.subi %rev3A_157, %rev3A_158 : vector<16xi32>
      %rev3A_160 = tpu.dynamic_gather %masked_sort3A_154[%rev3A_159] in [0] : vector<16xf32>, vector<16xi32> -> vector<16xf32>
      %rev3A_161 = arith.constant 15 : i32
      %rev3A_162 = vector.broadcast %rev3A_161 : i32 to vector<16xi32>
      %rev3A_163 = tpu.iota {dimensions = array<i32: 0>} : vector<16xi32>
      %rev3A_164 = arith.subi %rev3A_162, %rev3A_163 : vector<16xi32>
      %rev3A_165 = tpu.dynamic_gather %masked_sort3A_155[%rev3A_164] in [0] : vector<16xi32>, vector<16xi32> -> vector<16xi32>
      %lt3A_166 = arith.cmpf olt, %rev3A_160, %masked_sort3A_137 : vector<16xf32>
      %select_n3A_167 = arith.select %lt3A_166, %rev3A_160, %masked_sort3A_137 : vector<16xi1>, vector<16xf32>
      %select_n3A_168 = arith.select %lt3A_166, %rev3A_165, %masked_sort3A_138 : vector<16xi1>, vector<16xi32>
      %masked_sort3A_169 = arith.constant dense<true> : vector<16xi1>
      %masked_sort3A_170, %masked_sort3A_171, %masked_sort3A_172 = tpu.sort %select_n3A_167, %select_n3A_168 masked %masked_sort3A_169 {descending = true} : (vector<16xf32>, vector<16xi32>, vector<16xi1>) -> (vector<16xi1>, vector<16xf32>, vector<16xi32>)
      %rev3A_173 = arith.constant 15 : i32
      %rev3A_174 = vector.broadcast %rev3A_173 : i32 to vector<16xi32>
      %rev3A_175 = tpu.iota {dimensions = array<i32: 0>} : vector<16xi32>
      %rev3A_176 = arith.subi %rev3A_174, %rev3A_175 : vector<16xi32>
      %rev3A_177 = tpu.dynamic_gather %masked_sort3A_171[%rev3A_176] in [0] : vector<16xf32>, vector<16xi32> -> vector<16xf32>
      %rev3A_178 = arith.constant 15 : i32
      %rev3A_179 = vector.broadcast %rev3A_178 : i32 to vector<16xi32>
      %rev3A_180 = tpu.iota {dimensions = array<i32: 0>} : vector<16xi32>
      %rev3A_181 = arith.subi %rev3A_179, %rev3A_180 : vector<16xi32>
      %rev3A_182 = tpu.dynamic_gather %masked_sort3A_172[%rev3A_181] in [0] : vector<16xi32>, vector<16xi32> -> vector<16xi32>
      %gather3A_183 = tpu.vector_load_idx %arg8[%rev3A_182] : memref<32768xf32, #tpu.memory_space<vmem>>[vector<16xi32>], vector<16xf32>,
      %gather3A_184 = tpu.vector_load_idx %arg9[%rev3A_182] : memref<32768xf32, #tpu.memory_space<vmem>>[vector<16xi32>], vector<16xf32>,
      %gather3A_185 = tpu.vector_load_idx %arg10[%rev3A_182] : memref<32768xf32, #tpu.memory_space<vmem>>[vector<16xi32>], vector<16xf32>,
      %mul3A_186 = arith.constant 80 : i32
      %mul3A_187 = arith.muli %scan3A_28, %mul3A_186 : i32
      %sub3A_188 = arith.subf %gather3A_183, %gather3A : vector<16xf32>
      %swap3A = arith.index_cast %mul3A_187 : i32 to index
      %swap3A_189 = tpu.vector_load %arg12[%swap3A] {strides = array<i32>} : memref<2560xf32, #tpu.memory_space<vmem>>, vector<16xf32>,
      tpu.vector_store %arg12[%swap3A], %sub3A_188 {strides = array<i32>} : memref<2560xf32, #tpu.memory_space<vmem>>, vector<16xf32>,
      %sub3A_190 = arith.subf %gather3A_184, %gather3A_32 : vector<16xf32>
      %add3A_191 = arith.constant 16 : i32
      %add3A_192 = arith.addi %mul3A_187, %add3A_191 : i32
      %swap3A_193 = arith.index_cast %add3A_192 : i32 to index
      %swap3A_194 = tpu.vector_load %arg12[%swap3A_193] {strides = array<i32>} : memref<2560xf32, #tpu.memory_space<vmem>>, vector<16xf32>,
      tpu.vector_store %arg12[%swap3A_193], %sub3A_190 {strides = array<i32>} : memref<2560xf32, #tpu.memory_space<vmem>>, vector<16xf32>,
      %sub3A_195 = arith.subf %gather3A_185, %gather3A_36 : vector<16xf32>
      %add3A_196 = arith.constant 32 : i32
      %add3A_197 = arith.addi %mul3A_187, %add3A_196 : i32
      %swap3A_198 = arith.index_cast %add3A_197 : i32 to index
      %swap3A_199 = tpu.vector_load %arg12[%swap3A_198] {strides = array<i32>} : memref<2560xf32, #tpu.memory_space<vmem>>, vector<16xf32>,
      tpu.vector_store %arg12[%swap3A_198], %sub3A_195 {strides = array<i32>} : memref<2560xf32, #tpu.memory_space<vmem>>, vector<16xf32>,
      %sub3A_200 = arith.constant 1.000000e+00 : f32
      %sub3A_201 = vector.broadcast %sub3A_200 : f32 to vector<16xf32>
      %sub3A_202 = arith.subf %gather3A_40, %sub3A_201 : vector<16xf32>
      %add3A_203 = arith.constant 64 : i32
      %add3A_204 = arith.addi %mul3A_187, %add3A_203 : i32
      %swap3A_205 = arith.index_cast %add3A_204 : i32 to index
      %swap3A_206 = tpu.vector_load %arg12[%swap3A_205] {strides = array<i32>} : memref<2560xf32, #tpu.memory_space<vmem>>, vector<16xf32>,
      tpu.vector_store %arg12[%swap3A_205], %sub3A_202 {strides = array<i32>} : memref<2560xf32, #tpu.memory_space<vmem>>, vector<16xf32>,
      %mul3A_207 = arith.constant 32768 : i32
      %mul3A_208 = arith.muli %select_n3A, %mul3A_207 : i32
      %add3A_209 = vector.broadcast %mul3A_208 : i32 to vector<16xi32>
      %add3A_210 = arith.addi %rev3A_182, %add3A_209 : vector<16xi32>
      %add3A_211 = arith.constant 48 : i32
      %add3A_212 = arith.addi %mul3A_187, %add3A_211 : i32
      %dma_start3A = tpu.memref_slice %arg12[%add3A_212] : memref<2560xf32, #tpu.memory_space<vmem>> -> memref<16xf32, #tpu.memory_space<vmem>>
      %dma_start3A_213 = arith.constant 0 : i32
      %dma_start3A_214 = tpu.memref_slice %arg6[%dma_start3A_213] : memref<131072xf32, #tpu.memory_space<hbm>> -> memref<131072xf32, #tpu.memory_space<hbm>>
      tpu.enqueue_indirect_dma source(%dma_start3A_214 : memref<131072xf32, #tpu.memory_space<hbm>>) target(%dma_start3A : memref<16xf32, #tpu.memory_space<vmem>>) offsets(%add3A_210 : vector<16xi32>) semaphore(%arg14 : memref<!tpu.dma_semaphore, #tpu.memory_space<semaphore_mem>>)
    }
    %scan3A_22 = arith.constant 32 : i32
    %dma_wait3A = arith.constant 0 : i32
    %dma_wait3A_23 = tpu.memref_slice %arg6[%dma_wait3A] : memref<131072xf32, #tpu.memory_space<hbm>> -> memref<512xf32, #tpu.memory_space<hbm>>
    %dma_wait3A_24 = arith.constant 0 : i32
    %dma_wait3A_25 = tpu.memref_slice %arg6[%dma_wait3A_24] : memref<131072xf32, #tpu.memory_space<hbm>> -> memref<512xf32, #tpu.memory_space<hbm>>
    tpu.wait_dma2 semaphore(%arg14 : memref<!tpu.dma_semaphore, #tpu.memory_space<semaphore_mem>>) src(%dma_wait3A_25 : memref<512xf32, #tpu.memory_space<hbm>>) dst(%arg13 : memref<512xf32, #tpu.memory_space<vmem>>)
    %mul3A_26 = arith.constant 2560 : i32
    %mul3A_27 = arith.muli %add3A, %mul3A_26 : i32
    "tpu.region"() ({
      %run_scoped3A = tpu.sem_alloc : memref<!tpu.dma_semaphore, #tpu.memory_space<semaphore_mem>>
      %dma_start3A = tpu.memref_slice %arg7[%mul3A_27] : memref<81920xf32, #tpu.memory_space<hbm>> -> memref<2560xf32, #tpu.memory_space<hbm>>
      %dma_start3A_28 = tpu.memref_slice %arg7[%mul3A_27] : memref<81920xf32, #tpu.memory_space<hbm>> -> memref<2560xf32, #tpu.memory_space<hbm>>
      tpu.enqueue_dma source(%arg12 : memref<2560xf32, #tpu.memory_space<vmem>>) target(%dma_start3A_28 : memref<2560xf32, #tpu.memory_space<hbm>>) target_semaphore(%run_scoped3A : memref<!tpu.dma_semaphore, #tpu.memory_space<semaphore_mem>>)
      %dma_wait3A_29 = tpu.memref_slice %arg7[%mul3A_27] : memref<81920xf32, #tpu.memory_space<hbm>> -> memref<2560xf32, #tpu.memory_space<hbm>>
      %dma_wait3A_30 = tpu.memref_slice %arg7[%mul3A_27] : memref<81920xf32, #tpu.memory_space<hbm>> -> memref<2560xf32, #tpu.memory_space<hbm>>
      tpu.wait_dma2 semaphore(%run_scoped3A : memref<!tpu.dma_semaphore, #tpu.memory_space<semaphore_mem>>) src(%arg12 : memref<2560xf32, #tpu.memory_space<vmem>>) dst(%dma_wait3A_30 : memref<2560xf32, #tpu.memory_space<hbm>>)
      tpu.yield
    }) : () -> ()
    return
  }
}

</mosaic_0001>

<sc_bundles>
// kernel: kernel.3.cloned.1.call-start
scs
__scs_entry_jumppad:
0x0: {  	(pc) =	sbr.rel $0x88, $3  }
0x1: {  	(tag) =	ssettag $0x0;
	lr =	simm.s32 $0x1  }
0x2: {  	[smem:$0x3F9F] =	sst lr;
	_ =	strace $0xD0000000  }
0x3: {  	_ = 	snop  }
0x4: {  	_ = 	snop  }
0x5: {  	_ = 	snop  }
0x6: {  	_ = 	snop  }
0x7: {  	_ = 	snop  }
__scs_overlays_trampoline_lowered:
0x8: {  	[smem:$0x3FAE] =	sst s0  }
0x9: {  	[smem:$0x3FAF] =	sst s1  }
0xa: {  	[smem:$0x3FB0] =	sst s2  }
0xb: {  	[smem:$0x3FB1] =	sst s3  }
0xc: {  	[smem:$0x3FB2] =	sst s4  }
0xd: {  	[smem:$0x3FB3] =	sst s5  }
0xe: {  	[smem:$0x3FB4] =	sst s6  }
0xf: {  	[smem:$0x3FB5] =	sst s7  }
0x10: {  	[smem:$0x3FB6] =	sst s8  }
0x11: {  	[smem:$0x3FB7] =	sst s9;
	s0 =	simm.s32 @!p0 $0x0  }
0x12: {  	s1 =	sld [smem:$0x3F9D];
	s0 =	simm.s32 @p0 $0x1  }
0x13: {  	[smem:$0x3FB8] =	sst s0;
	s0 =	simm.s32 @!p1 $0x0  }
0x14: {  	s2 =	sld [smem:$0x3F9C];
	s0 =	simm.s32 @p1 $0x1  }
0x15: {  	[smem:$0x3FB9] =	sst s0;
	s0 =	simm.s32 @!p2 $0x0  }
0x16: {  	s3 =	sld [smem:$0x3FDB];
	s0 =	simm.s32 @p2 $0x1  }
0x17: {  	s4 =	simm.s32 $0x1BF5;
	[smem:$0x3FBB] =	sst s0  }
0x18: {  	s0 =	sld [smem:$0x3F9E];
	_ =	swait.ge [sflag:s4], $0x0  }
0x19: {  	s7 =	sld [smem:$0x3F9F]  }
0x1a: {  	s8 =	sadd.s32 $0xFFFFE003, lr  }
0x1b: {  	s9 =	sadd.s32 $0xFFFFFEF7, lr;
	s5 =	simm.s32 $0xFFFFFFFF;
	p2 =	slt.u32 s8, $0xFFFFF086  }
0x1c: {  	p1 =	slt.u32 s9, $0xF7A;
	s5 =	simm.s32 @!p2 $0x0  }
0x1d: {  	s5 =	simm.s32 @p1 $0x1;
	p0 =	seq.s32 s7, s2  }
0x1e: {  	s7 =	smul.u32 @!p0 $0xF7A, s2;
	p2 =	seq.s32 @!p0 s5, $0x0  }
0x1f: {  	s9 =	smul.u32 $0xF7A, s1;
	s8 =	simm.s32 @!p0 $0x1BF5;
	p2 =	por !p2, p0  }
0x20: {  	[sflag:s8] =	ssyncset.s32 @!p0 $0xFFFFF086;
	s6 =	sadd.s32 @!p0 s3, s7;
	s7 =	simm.s32 @!p0 $0x108  }
0x21: {  	s3 =	sadd.s32 s3, s9;
	s6 =	sadd.s32 @!p0 $0x88, s6;
	s7 =	simm.s32 @p2 $0x1082  }
0x22: {  	[simem:s7], [sflag:s8] =	dma.local @!p0 [hbm:s6], $0xF7A  }
0x23: {  	s9 =	sor.u32 $0xD0000000, s2;
	s6 =	simm.s32 $0x108;
	_ =	swait.ge @!p0 [sflag:s8], $0x0  }
0x24: {  	s3 =	sadd.s32 $0x88, s3;
	s6 =	simm.s32 @!p1 $0x1082;
	[sflag:s4] =	ssyncset.s32 $0xFFFFF086  }
0x25: {  	[simem:s6], [sflag:s4] =	dma.local [hbm:s3], $0xF7A  }
0x26: {  	[smem:$0x3F9F] =	sst s1;
	(tag) =	ssettag s2;
	_ =	strace s9  }
0x27: {  	s1 =	sld [smem:$0x3FAF]  }
0x28: {  	s2 =	sld [smem:$0x3FB0]  }
0x29: {  	s4 =	sld [smem:$0x3FB2]  }
0x2a: {  	p0 =	seq.s32 s5, $0x0;
	s5 =	sld [smem:$0x3FB3]  }
0x2b: {  	s6 =	sld [smem:$0x3FB4]  }
0x2c: {  	s7 =	sld [smem:$0x3FB5]  }
0x2d: {  	s3 =	simm.s32 $0x108;
	s8 =	sld [smem:$0x3FB6]  }
0x2e: {  	s3 =	simm.s32 @!p0 $0x1082;
	s9 =	sld [smem:$0x3FB7]  }
0x2f: {  	lr =	sadd.s32 s0, s3;
	s0 =	sld [smem:$0x3FAE]  }
0x30: {  	s3 =	sld [smem:$0x3FB1]  }
0x31: {  	[smem:$0x3FBA] =	sst s10  }
0x32: {  	s10 =	sld [smem:$0x3FB8];
	_ =	sdelay $0x3  }
0x33: {  	p0 =	seq.s32 s10, $0x1;
	s10 =	sld [smem:$0x3FBA];
	_ =	sdelay $0x3  }
0x34: {  	[smem:$0x3FBA] =	sst s10  }
0x35: {  	s10 =	sld [smem:$0x3FB9];
	_ =	sdelay $0x3  }
0x36: {  	p1 =	seq.s32 s10, $0x1;
	s10 =	sld [smem:$0x3FBA];
	_ =	sdelay $0x3  }
0x37: {  	[smem:$0x3FBA] =	sst s10  }
0x38: {  	s10 =	sld [smem:$0x3FBB]  }
0x39: {  	_ = 	snop;
	(pc) =	sbr.ind lr, $3  }
0x3a: {  	_ = 	snop  }
0x3b: {  	_ = 	snop  }
0x3c: {  	p2 =	seq.s32 s10, $0x1;
	s10 =	sld [smem:$0x3FBA]  }
0x3d: {  	_ =	shalt  }
0x3e: {  	_ =	shalt  }
0x3f: {  	_ =	shalt  }
0x40: {  	_ =	shalt  }
0x41: {  	_ =	shalt  }
0x42: {  	_ =	shalt  }
0x43: {  	_ =	shalt  }
0x44: {  	_ =	shalt  }
0x45: {  	_ =	shalt  }
0x46: {  	_ =	shalt  }
0x47: {  	_ =	shalt  }
0x48: {  	_ =	shalt  }
0x49: {  	_ =	shalt  }
0x4a: {  	_ =	shalt  }
0x4b: {  	_ =	shalt  }
0x4c: {  	_ =	shalt  }
0x4d: {  	_ =	shalt  }
0x4e: {  	_ =	shalt  }
0x4f: {  	_ =	shalt  }
0x50: {  	_ =	shalt  }
0x51: {  	_ =	shalt  }
0x52: {  	_ =	shalt  }
0x53: {  	_ =	shalt  }
0x54: {  	_ =	shalt  }
0x55: {  	_ =	shalt  }
0x56: {  	_ =	shalt  }
0x57: {  	_ =	shalt  }
0x58: {  	_ =	shalt  }
0x59: {  	_ =	shalt  }
0x5a: {  	_ =	shalt  }
0x5b: {  	_ =	shalt  }
0x5c: {  	_ =	shalt  }
0x5d: {  	_ =	shalt  }
0x5e: {  	_ =	shalt  }
0x5f: {  	_ =	shalt  }
0x60: {  	_ =	shalt  }
0x61: {  	_ =	shalt  }
0x62: {  	_ =	shalt  }
0x63: {  	_ =	shalt  }
0x64: {  	_ =	shalt  }
0x65: {  	_ =	shalt  }
0x66: {  	_ =	shalt  }
0x67: {  	_ =	shalt  }
0x68: {  	_ =	shalt  }
0x69: {  	_ =	shalt  }
0x6a: {  	_ =	shalt  }
0x6b: {  	_ =	shalt  }
0x6c: {  	_ =	shalt  }
0x6d: {  	_ =	shalt  }
0x6e: {  	_ =	shalt  }
0x6f: {  	_ =	shalt  }
0x70: {  	_ =	shalt  }
0x71: {  	_ =	shalt  }
0x72: {  	_ =	shalt  }
0x73: {  	_ =	shalt  }
0x74: {  	_ =	shalt  }
0x75: {  	_ =	shalt  }
0x76: {  	_ =	shalt  }
0x77: {  	_ =	shalt  }
0x78: {  	_ =	shalt  }
0x79: {  	_ =	shalt  }
0x7a: {  	_ =	shalt  }
0x7b: {  	_ =	shalt  }
0x7c: {  	_ =	shalt  }
0x7d: {  	_ =	shalt  }
0x7e: {  	_ =	shalt  }
0x7f: {  	_ =	shalt  }
0x80: {  	_ =	shalt  }
0x81: {  	_ =	shalt  }
0x82: {  	_ =	shalt  }
0x83: {  	_ =	shalt  }
0x84: {  	_ =	shalt  }
0x85: {  	_ =	shalt  }
0x86: {  	_ =	shalt  }
0x87: {  	_ =	shalt  }
.Lfunc_end0:
.L_simem_size_0:
called_computation_lowered:
.L_overlay_start_0:
0x88: {  	s2 =	sld [smem:$0x3FD9]  }
0x89: {  	s3 =	sld [smem:$0x3FFE];
	_ =	sdelay $0x1  }
0x8a: {  	s1 =	srdreg.scid  }
0x8b: {  	s0 =	sand.u32 $0x1, s1  }
0x8c: {  	s17 =	sshll.u32 s0, $0xA;
	s2 =	sadd.s32 s3, s2  }
0x8d: {  	s2 =	sadd.s32 s2, s17  }
0x8e: {  	[smem:$0x3FC6] =	sst s2  }
0x8f: {  	_ = 	snop  }
0x90: {  	s2 =	sld [smem:$0x3FD0];
	(tm) =	ssettm $0x1  }
0x91: {  	s18 =	sld [smem:$0x3FFB];
	_ =	sdelay $0x3  }
0x92: {  	_ =	strace s18  }
0x93: {  	s3 =	sld [smem:$0x3FFC];
	_ =	sdelay $0x3  }
0x94: {  	_ =	strace s3  }
0x95: {  	s3 =	sld [smem:$0x3FFD];
	_ =	sdelay $0x3  }
0x96: {  	_ =	strace s3  }
0x97: {  	_ =	strace $0x8FFFFFFF  }
0x98: {  	s19 =	sld [smem:$0x3FDB];
	_ =	sdelay $0x1  }
0x99: {  	s4 =	simm.s32 $_scs_section_size  }
0x9a: {  	s5 =	simm.s32 $_size__tile_overlayer_lowered;
	s6 =	simm.s32 $_tile_overlayer_lowered  }
0x9b: {  	s22 =	simm.s32 $0x1BFF;
	s21 =	sshll.u32 s6, $0x1;
	s3 =	sadd.s32 s4, s19  }
0x9c: {  	s7 =	simm.s32 $0x0;
	s20 =	sshll.u32 s5, $0x1;
	s5 =	sadd.s32 s21, s3  }
0x9d: {  	[timem:s7], [sflag:s22] =	dma.local [hbm:s5], s20  }
0x9e: {  	_ =	swait.ge [sflag:s22], s20  }
0x9f: {  	s4 =	ssub.s32 $0x0, s20;
	[sflag:s22] =	ssyncset.done $0x0  }
0xa0: {  	[sflag:s22] =	ssyncadd.s32 s4;
	_ =	sdelay $0x1  }
0xa1: {  	s23 =	simm.s32 $0x1B8B  }
0xa2: {  	_ =	swait.ge [sflag:s23], $0x1  }
0xa3: {  	[sflag:s23] =	ssyncset.done $0x0  }
0xa4: {  	s25 =	simm.s32 $0x1B8E;
	s24 =	sld [smem:$0x3FFE];
	[sflag:s23] =	ssyncadd.s32 $0xFFFFFFFF  }
0xa5: {  	s26 =	simm.s32 $execute0_lowered;
	[smem:$0x3FD2] =	sst s25  }
0xa6: {  	s5 =	sshll.u32 s26, $0x1;
	_ =	strace $0x80000046;
	[dreg:$0x1] =	wrdreg $0xFFFFFFFF  }
0xa7: {  	s28 =	simm.s32 $_size_execute0_lowered;
	s3 =	sadd.s32 s3, s5;
	[dreg:$0x0] =	wrdreg $0x0  }
0xa8: {  	s5 =	sshll.u32 s28, $0x1;
	[dreg:$0x2] =	wrdreg s3  }
0xa9: {  	[dreg:$0x3] =	wrdreg s5  }
0xaa: {  	[dreg:$0x4] =	wrdreg $0xC0  }
0xab: {  	_ =	task [dreg:s7], $0x5FFFF  }
0xac: {  	[dreg:$0x1] =	wrdreg $0xFFFFFFFF  }
0xad: {  	[dreg:$0x0] =	wrdreg $0x60  }
0xae: {  	[dreg:$0x2] =	wrdreg s24  }
0xaf: {  	[dreg:$0x3] =	wrdreg s2  }
0xb0: {  	[dreg:$0x4] =	wrdreg $0x9  }
0xb1: {  	_ =	task.clear_ibuf [dreg:s7], $0x5FFFF;
	_ =	strace $0x90000046  }
0xb2: {  	s29 =	simm.s32 $0x9;
	_ =	strace $0x80000048  }
0xb3: {  	_ =	swait.ge [sflag:s29], $0x1  }
0xb4: {  	[sflag:s29] =	ssyncadd.s32 $0xFFFFFFFF  }
0xb5: {  	_ =	strace $0x90000048  }
0xb6: {  	_ =	sfence  }
0xb7: {  	s30 =	sld [smem:$0x0];
	_ =	sdelay $0x2  }
0xb8: {  	s31 =	sshll.u32 s1, $0xD;
	s1 =	sshrl.u32 s1, $0x2  }
0xb9: {  	s3 =	sand.u32 $0x4000, s31;
	s1 =	sadd.s32 s1, s30  }
0xba: {  	s0 =	sor.u32 s3, s0;
	s1 =	sshll.u32 s1, $0x11  }
0xbb: {  	s0 =	sor.u32 s1, s0  }
0xbc: {  	s0 =	sadd.s32 $0x8F2B, s0  }
0xbd: {  	[sflag:s0] =	ssyncadd.remote.s32 $0x1  }
0xbe: {  	_ =	sfence.sel $0xFFFF  }
0xbf: {  	[dreg:$0x0] =	wrdreg $0xFFFFFFFF;
	(pc) =	sbr.abs _section_cstart, $3  }
0xc0: {  	[dreg:$0x1] =	wrdreg $0xFFFFFFFF  }
0xc1: {  	_ =	task.clear_ibuf [dreg:s7], $0x2FFFF;
	_ =	strace $0x9FFFFFFF  }
0xc2: {  	(tm) =	ssettm $0x7FFFFFFF  }
0xc3: {  	_ =	shalt  }
tec
execute0_lowered:
.L_overlay_start_1:
0x0: {  	(tag) =	ssettag $0x1  }
0x1: {  	s3 =	rddreg [dreg:$0x0]  }
0x2: {  	s8 =	rddreg [dreg:$0x1]  }
0x3: {  	s0 =	rddreg [dreg:$0x2]  }
0x4: {  	s2 =	simm.s32 $0x0;
	s1 =	stileid.u32;
	s5 =	srdreg.scid  }
0x5: {  	s13 =	simm.s32 $0x8000;
	s14 =	simm.s32 $0x10000;
	s15 =	simm.s32 $0x400  }
0x6: {  	s16 =	simm.s32 $0x18000;
	s18 =	simm.s32 $0x18100;
	s19 =	simm.s32 $0x0  }
0x7: {  	[smem:$0x7FF] =	sst s2;
	s9 =	sshrl.u32 s1, $0x2;
	s28 =	sshll.u32 s1, $0x6  }
0x8: {  	s5 =	sand.u32 $0x1, s5;
	s7 =	sshll.u32 s1, $0x1;
	_ =	strace $0x80000047  }
0x9: {  	s4 =	sshll.u32 s9, $0x4;
	s29 =	ssub.s32 $0x2, s5;
	s7 =	sor.u32 s5, s7  }
0xa: {  	s17 =	sshll.u32 s9, $0xF;
	s6 =	sadd.s32 s4, s3;
	s4 =	sand.u32 $0x300, s28  }
0xb: {  	s30 =	sshrl.u32 s29, $0x1;
	s11 =	sshll.u32 s7, $0x4;
	s31 =	smul.u32 $0x140, s7  }
0xc: {  	v1 =	vmov s17;
	s17 =	simm.s32 $0x1;
	s10 =	sadd.s32 s4, s3;
	s3 =	sadd.s32 $0xCA00, s3  }
0xd: {  	s12 =	ssub.s32 s29, s30;
	s4 =	sadd.s32 $0x8A00, s6;
	s11 =	sand.u32 $0x70, s11  }
0xe: {  	s5 =	sadd.s32 $0x4A00, s6;
	s6 =	sadd.s32 $0xA00, s6;
	s10 =	sadd.s32 s11, s10  }
0xf: {  	v0 =	vlaneseq.u32;
	s8 =	sadd.s32 s8, s31;
	s9 =	smax.u32 s12, $0x1;
	s11 =	simm.s32 $0x200  }
0x10: {  	v2 =	vor.u32 $0xFFFFE000, v0;
	s12 =	simm.s32 $0x2;
	s7 =	sadd.s32 $0x600, s10;
	s10 =	simm.s32 $0x80  }
.LBB2_1:
0x11: {  	[tilespmem:s2], [sflag:$0x2] =	stream.strided.gather [hbm4b:s4+s10], $0x8000, s11, s10, $0x38;
	[tilespmem:$0x18B00] =	vst v63  }
0x12: {  	_ =	swait.ge [sflag:s12], $0x8000  }
0x13: {  	[sflag:s12] =	ssyncset.done $0x0  }
0x14: {  	[sflag:s12] =	ssyncadd.s32 $0xFFFF8000  }
0x15: {  	[tilespmem:s13], [sflag:$0x2] =	stream.strided.gather [hbm4b:s5+s10], $0x8000, s11, s10, $0x38;
	[tilespmem:$0x18B00] =	vst v63  }
0x16: {  	_ =	swait.ge [sflag:s12], $0x8000  }
0x17: {  	[sflag:s12] =	ssyncset.done $0x0  }
0x18: {  	[sflag:s12] =	ssyncadd.s32 $0xFFFF8000  }
0x19: {  	[tilespmem:s14], [sflag:$0x2] =	stream.strided.gather [hbm4b:s6+s10], $0x8000, s11, s10, $0x38;
	[tilespmem:$0x18B00] =	vst v63  }
0x1a: {  	_ =	swait.ge [sflag:s12], $0x8000  }
0x1b: {  	[sflag:s12] =	ssyncset.done $0x0  }
0x1c: {  	[sflag:s12] =	ssyncadd.s32 $0xFFFF8000  }
0x1d: {  	[tilespmem:s16], [sflag:$0x2] =	stream.strided.gather [hbm4b:s7+s10], $0x100, s15, s10, $0x38;
	[tilespmem:$0x18B00] =	vst v63  }
0x1e: {  	_ =	swait.ge [sflag:s12], $0x100  }
0x1f: {  	[sflag:s12] =	ssyncset.done $0x0  }
0x20: {  	s20 =	simm.s32 $0x0;
	[sflag:s12] =	ssyncadd.s32 $0xFFFFFF00  }
.LBB2_2:
0x21: {  	s21 =	sor.u32 $0x80, s20  }
0x22: {  	v3 =	vmov s21;
	_ =	sdelay $0x4  }
0x23: {  	v3 =	vld.idx.msk [tilespmem:v3+s16+$0x0], $0xffff;
	_ =	sdelay $0x4  }
0x24: {  	v4 =	vtrunc.f32 v3  }
0x25: {  	v4 =	vcvt.f32.s32 v4  }
0x26: {  	v5 =	vmov s20;
	s23 =	sor.u32 $0x20, s20  }
0x27: {  	s24 =	sor.u32 $0x40, s20;
	v6 =	vmov s23;
	v4 =	vshll.u32 v4, $0xD  }
0x28: {  	s25 =	simm.s32 $0x70;
	v8 =	vmov s24;
	v7 =	vadd.s32 v2, v4  }
0x29: {  	v9 =	vor.u32 s25, v7  }
0x2a: {  	s26 =	simm.s32 $0x40  }
0x2b: {  	v4 =	vld.idx.msk [tilespmem:v5+s16+$0x0], $0xffff;
	v14 =	vor.u32 s26, v7  }
0x2c: {  	s22 =	simm.s32 $0x30;
	v5 =	vld.idx.msk [tilespmem:v6+s16+$0x0], $0xffff  }
0x2d: {  	s29 =	simm.s32 $0x50;
	v6 =	vld.idx.msk [tilespmem:v8+s16+$0x0], $0xffff;
	v13 =	vor.u32 s22, v7  }
0x2e: {  	s30 =	simm.s32 $0x20;
	v16 =	vor.u32 s29, v7;
	v10 =	vld.idx.msk [tilespmem:v9+s13+$0x0], $0xffff  }
0x2f: {  	v18 =	vor.u32 s30, v7;
	v11 =	vld.idx.msk [tilespmem:v9+s2+$0x0], $0xffff  }
0x30: {  	v12 =	vld.idx.msk [tilespmem:v14+s14+$0x0], $0xffff  }
0x31: {  	v17 =	vld.idx.msk [tilespmem:v9+s14+$0x0], $0xffff  }
0x32: {  	s31 =	simm.s32 $0x10;
	v19 =	vld.idx.msk [tilespmem:v13+s14+$0x0], $0xffff  }
0x33: {  	s28 =	simm.s32 $0x0;
	v22 =	vor.u32 s31, v7;
	v24 =	vld.idx.msk [tilespmem:v16+s13+$0x0], $0xffff  }
0x34: {  	v15 =	vor.u32 s28, v7;
	v25 =	vld.idx.msk [tilespmem:v18+s14+$0x0], $0xffff  }
0x35: {  	v8 =	vand.u32 $0xFFFFFF80, v15;
	v26 =	vld.idx.msk [tilespmem:v14+s2+$0x0], $0xffff  }
0x36: {  	v8 =	vor.u32 v0, v8;
	v27 =	vld.idx.msk [tilespmem:v14+s13+$0x0], $0xffff  }
0x37: {  	v29 =	vld.idx.msk [tilespmem:v18+s13+$0x0], $0xffff;
	v10 =	vsub.f32 v10, v5;
	v11 =	vsub.f32 v11, v4  }
0x38: {  	v28 =	vld.idx.msk [tilespmem:v22+s2+$0x0], $0xffff  }
0x39: {  	v32 =	vld.idx.msk [tilespmem:v18+s2+$0x0], $0xffff;
	v17 =	vsub.f32 v17, v6;
	v11 =	vmul.f32 v11, v11;
	v10 =	vmul.f32 v10, v10  }
0x3a: {  	v31 =	vld.idx.msk [tilespmem:v22+s13+$0x0], $0xffff;
	v12 =	vsub.f32 v12, v6;
	v26 =	vsub.f32 v26, v4  }
0x3b: {  	v21 =	vld.idx.msk [tilespmem:v8+s14+$0x0], $0xffff;
	v27 =	vsub.f32 v27, v5;
	v10 =	vadd.f32 v10, v11;
	v11 =	vmul.f32 v17, v17  }
0x3c: {  	s22 =	simm.s32 $0x60;
	v23 =	vld.idx.msk [tilespmem:v16+s2+$0x0], $0xffff;
	v24 =	vsub.f32 v24, v5;
	v29 =	vsub.f32 v29, v5  }
0x3d: {  	v30 =	vor.u32 s22, v7;
	v20 =	vld.idx.msk [tilespmem:v16+s14+$0x0], $0xffff;
	v10 =	vadd.f32 v11, v10;
	v11 =	vsub.f32 v25, v6  }
0x3e: {  	v32 =	vsub.f32 v32, v4;
	v27 =	vmul.f32 v27, v27;
	v35 =	vmul.f32 v12, v12  }
0x3f: {  	v12 =	vsub.f32 v19, v6;
	v33 =	vmul.f32 v11, v11;
	v11 =	vsub.f32 v28, v4;
	v28 =	vld.idx.msk [tilespmem:v22+s14+$0x0], $0xffff  }
0x40: {  	v19 =	vsub.f32 v21, v6;
	v21 =	vsub.f32 v31, v5;
	v29 =	vmul.f32 v29, v29  }
0x41: {  	v24 =	vmul.f32 v24, v24;
	v26 =	vmul.f32 v26, v26;
	v17 =	vsub.f32 v23, v4;
	v23 =	vld.idx.msk [tilespmem:v8+s13+$0x0], $0xffff  }
0x42: {  	v20 =	vsub.f32 v20, v6;
	v32 =	vmul.f32 v32, v32;
	v37 =	vmul.f32 v12, v12;
	v8 =	vld.idx.msk [tilespmem:v8+s2+$0x0], $0xffff  }
0x43: {  	v12 =	vmul.f32 v21, v21;
	v26 =	vadd.f32 v27, v26;
	v17 =	vmul.f32 v17, v17  }
0x44: {  	v27 =	vadd.f32 v29, v32;
	v25 =	vld.idx.msk [tilespmem:v13+s13+$0x0], $0xffff;
	v11 =	vmul.f32 v11, v11;
	v21 =	vsub.f32 v28, v6  }
0x45: {  	s23 =	simm.s32 $0xF0;
	v34 =	vld.idx.msk [tilespmem:v13+s2+$0x0], $0xffff;
	v20 =	vmul.f32 v20, v20;
	v26 =	vadd.f32 v35, v26;
	v17 =	vadd.f32 v24, v17  }
0x46: {  	(xrf1) =	vsort.ascd.msk.f32 $0xffff, v10, v9;
	v9 =	vadd.f32 v12, v11;
	v10 =	vmul.f32 v21, v21;
	v21 =	vor.u32 s23, v7  }
0x47: {  	v31 =	vld.idx.msk [tilespmem:v30+s14+$0x0], $0xffff;
	v23 =	vsub.f32 v23, v5;
	v8 =	vsub.f32 v8, v4  }
0x48: {  	s24 =	simm.s32 $0xC0;
	s25 =	simm.s32 $0x80;
	v36 =	vld.idx.msk [tilespmem:v30+s2+$0x0], $0xffff;
	v17 =	vadd.f32 v20, v17;
	v12 =	vadd.f32 v10, v9  }
0x49: {  	v52 =	vld.idx.msk [tilespmem:v30+s13+$0x0], $0xffff;
	v25 =	vsub.f32 v25, v5;
	v10 =	vor.u32 s24, v7;
	v9 =	vor.u32 s25, v7  }
0x4a: {  	v23 =	vmul.f32 v23, v23;
	v28 =	vsub.f32 v34, v4;
	v24 =	vand.u32 $0xFFFFFF80, v9;
	(xrf1) =	vsort.ascd.msk.f32 $0xffff, v12, v22  }
0x4b: {  	s28 =	simm.s32 $0xD0;
	v22 =	vmul.f32 v25, v25;
	v38 =	vor.u32 v0, v24;
	v24 =	vmul.f32 v8, v8;
	v25 =	vld.idx.msk [tilespmem:v21+s13+$0x0], $0xffff  }
0x4c: {  	v11 =	vsub.f32 v31, v6;
	v28 =	vmul.f32 v28, v28;
	v12 =	vor.u32 s28, v7;
	v20 =	vld.idx.msk [tilespmem:v21+s2+$0x0], $0xffff  }
0x4d: {  	v31 =	vsub.f32 v36, v4;
	(xrf1) =	vsort.ascd.msk.f32 $0xffff, v17, v16;
	v17 =	vld.idx.msk [tilespmem:v21+s14+$0x0], $0xffff;
	v16 =	vadd.f32 v23, v24  }
0x4e: {  	v19 =	vmul.f32 v19, v19;
	v23 =	vsub.f32 v52, v5;
	v22 =	vadd.f32 v22, v28;
	v29 =	vld.idx.msk [tilespmem:v10+s14+$0x0], $0xffff  }
0x4f: {  	s30 =	simm.s32 $0x90;
	v27 =	vadd.f32 v33, v27;
	v24 =	vmul.f32 v31, v31;
	(xrf1) =	vsort.ascd.msk.f32 $0xffff, v26, v14;
	v57 =	vld.idx.msk [tilespmem:v10+s2+$0x0], $0xffff  }
0x50: {  	v14 =	vor.u32 s30, v7;
	v23 =	vmul.f32 v23, v23;
	v22 =	vadd.f32 v37, v22;
	v54 =	vld.idx.msk [tilespmem:v38+s14+$0x0], $0xffff  }
0x51: {  	s29 =	simm.s32 $0xA0;
	v53 =	vmul.f32 v11, v11;
	v19 =	vadd.f32 v19, v16;
	v26 =	vld.idx.msk [tilespmem:v12+s13+$0x0], $0xffff;
	v25 =	vsub.f32 v25, v5  }
0x52: {  	s26 =	simm.s32 $0xB0;
	s31 =	simm.s32 $0xE0;
	v8 =	vor.u32 s29, v7;
	v61 =	vld.idx.msk [tilespmem:v38+s2+$0x0], $0xffff;
	v20 =	vsub.f32 v20, v4;
	v23 =	vadd.f32 v23, v24  }
0x53: {  	v11 =	vor.u32 s26, v7;
	v24 =	vld.idx.msk [tilespmem:v12+s2+$0x0], $0xffff;
	(xrf1) =	vsort.ascd.msk.f32 $0xffff, v22, v13;
	v13 =	vor.u32 s31, v7;
	v17 =	vsub.f32 v17, v6  }
0x54: {  	v16 =	vimm.f32 $+Inf;
	(xrf1) =	vsort.ascd.msk.f32 $0xffff, v19, v15;
	v19 =	vld.idx.msk [tilespmem:v10+s13+$0x0], $0xffff;
	v20 =	vmul.f32 v20, v20;
	v25 =	vmul.f32 v25, v25;
	v22, v55, _ =	vpop (xrf1)  }
0x55: {  	v59 =	vld.idx.msk [tilespmem:v14+s13+$0x0], $0xffff;
	v23 =	vadd.f32 v53, v23;
	v17 =	vmul.f32 v17, v17;
	vm0 =	vlt.f32 v22, v16  }
0x56: {  	v31 =	vld.idx.msk [tilespmem:v12+s14+$0x0], $0xffff;
	v39 =	vsub.f32 v57, v4;
	v20 =	vadd.f32 v25, v20;
	v22 =	vsel vm0, v22, v16  }
0x57: {  	v56 =	vld.idx.msk [tilespmem:v8+s14+$0x0], $0xffff;
	v15 =	vimm.s32 $0x0;
	(xrf1) =	vsort.ascd.msk.f32 $0xffff, v23, v30;
	v25 =	vsub.f32 v29, v6;
	v26 =	vsub.f32 v26, v5  }
0x58: {  	v29 =	vsel vm0, v55, v15;
	v33 =	vsub.f32 v54, v6;
	v52 =	vsub.f32 v61, v4  }
0x59: {  	v55 =	vmul.f32 v39, v39;
	v24 =	vsub.f32 v24, v4;
	v17 =	vadd.f32 v17, v20  }
0x5a: {  	v23 =	vld.idx.msk [tilespmem:v14+s2+$0x0], $0xffff;
	v19 =	vsub.f32 v19, v5;
	v36 =	vsub.f32 v59, v5;
	v26 =	vmul.f32 v26, v26  }
0x5b: {  	v20 =	vld.idx.msk [tilespmem:v38+s13+$0x0], $0xffff;
	v34 =	vmul.f32 v24, v24;
	v30, v58, _ =	vpop (xrf1);
	(xrf1) =	vsort.dscd.msk.f32 $0xffff, v22, v29;
	v22 =	vsub.f32 v31, v6  }
0x5c: {  	v28 =	vld.idx.msk [tilespmem:v11+s14+$0x0], $0xffff;
	v31 =	vsub.f32 v56, v6;
	vm0 =	vlt.f32 v30, v16;
	(xrf1) =	vsort.ascd.msk.f32 $0xffff, v17, v21  }
0x5d: {  	v46 =	vld.idx.msk [tilespmem:v13+s14+$0x0], $0xffff;
	v60 =	vsel vm0, v30, v16;
	v43 =	vsel vm0, v58, v15;
	(xrf1) =	vsort.ascd.msk.f32 $0xffff, v27, v18  }
0x5e: {  	v39 =	vimm.s32 $0x0;
	v29 =	vld.idx.msk [tilespmem:v8+s13+$0x0], $0xffff;
	v32 =	vmul.f32 v19, v19;
	v47 =	vmul.f32 v36, v36;
	v27, v44, _ =	vpop (xrf1);
	(xrf1) =	vsort.dscd.msk.f32 $0xffff, v60, v43  }
0x5f: {  	v23 =	vsub.f32 v23, v4;
	v53 =	vadd.f32 v26, v34;
	v24 =	vmul.f32 v22, v22;
	v22 =	vld.idx.msk [tilespmem:v11+s13+$0x0], $0xffff  }
0x60: {  	v34 =	vimm.s32 $0x0;
	v17 =	vmul.f32 v31, v31;
	v18 =	vld.idx.msk [tilespmem:v11+s2+$0x0], $0xffff;
	v19 =	vsub.f32 v20, v5  }
0x61: {  	v31 =	vld.idx.msk [tilespmem:v8+s2+$0x0], $0xffff;
	v20 =	vmul.f32 v25, v25;
	v25 =	vsub.f32 v28, v6;
	vm1 =	vlt.f32 v27, v16  }
0x62: {  	v45 =	vld.idx.msk [tilespmem:v14+s14+$0x0], $0xffff;
	v43 =	vimm.f32 $+Inf;
	v51 =	vsel vm1, v44, v15;
	v44 =	vimm.f32 $+Inf  }
0x63: {  	v21 =	vsub.f32 v29, v5;
	v29, v28, _ =	vpop (xrf1);
	v42 =	vmul.f32 v19, v19;
	v19 =	vmul.f32 v23, v23  }
0x64: {  	v23 =	vsub.f32 v46, v6;
	vm0 =	vlt.f32 v29, v16;
	v49 =	vsub.f32 v22, v5  }
0x65: {  	v22, v40, _ =	vpop (xrf1);
	v30 =	vsel vm0, v29, v16;
	v18 =	vsub.f32 v18, v4;
	v29 =	vmul.f32 v25, v25;
	v25 =	vld.idx.msk [tilespmem:v13+s2+$0x0], $0xffff  }
0x66: {  	v35 =	vmul.f32 v21, v21;
	v31 =	vsub.f32 v31, v4;
	vm3 =	vlt.f32 v22, v16  }
0x67: {  	v41, v62, _ =	vpop (xrf1);
	v56 =	vsel vm3, v40, v15;
	v40 =	vmul.f32 v18, v18;
	v18 =	vsub.f32 v45, v6  }
0x68: {  	v21 =	vmul.f32 v33, v33;
	vm2 =	vlt.f32 v41, v16;
	v57 =	vsel vm3, v22, v16;
	v46, v38, _ =	vpop (xrf1)  }
0x69: {  	v48 =	vmul.f32 v31, v31;
	v31 =	vadd.f32 v47, v19;
	v63 =	vmul.f32 v18, v18;
	v22, v19, _ =	vpop (xrf1)  }
0x6a: {  	s21 =	simm.s32 $0x170;
	v33 =	vmul.f32 v23, v23;
	v36 =	vsel vm2, v62, v15;
	v50 =	vsub.f32 v25, v4;
	v25, v23, _ =	vpop (xrf1)  }
0x6b: {  	s22 =	simm.s32 $0x1F0;
	s23 =	simm.s32 $0x100;
	v37 =	vld.idx.msk [tilespmem:v13+s13+$0x0], $0xffff;
	(xrf1) =	vsort.dscd.msk.f32 $0xffff, v57, v56;
	v18 =	vor.u32 s21, v7;
	v54 =	vadd.f32 v63, v31;
	v31 =	vimm.f32 $+Inf;
	v45, v47, _ =	vpop (xrf1)  }
.LBB2_3:
0x6c: {  	v26 =	vor.u32 s23, v7;
	s23 =	sadd.s32 $0xFFFFFFD0, s21;
	s24 =	sadd.s32 $0xFFFFFFE0, s21;
	s25 =	sadd.s32 $0xFFFFFFF0, s21;
	v49 =	vmul.f32 v49, v49;
	v32 =	vadd.f32 v32, v55;
	v55, v56, _ =	vpop (xrf1)  }
0x6d: {  	s26 =	sadd.s32 $0xFFFFFFA0, s21;
	s28 =	sadd.s32 $0xFFFFFFB0, s21;
	s29 =	sadd.s32 $0xFFFFFFC0, s21;
	v16 =	vsel vm1, v27, v16;
	v57 =	vand.u32 $0xFFFFFF80, v26;
	v58 =	vor.u32 s23, v7;
	(xrf1) =	vsort.ascd.msk.f32 $0xffff, v54, v14  }
0x6e: {  	p0 =	sne.s32 s22, $0x1FF0;
	s21 =	smov.u32 s22;
	s22 =	sadd.s32 $0x80, s22;
	v14 =	vor.u32 s26, v7;
	v24 =	vadd.f32 v24, v53;
	v54 =	vor.u32 v0, v57;
	(xrf1) =	vsort.dscd.msk.f32 $0xffff, v16, v51  }
0x6f: {  	vm1 =	vlt.f32 v46, v44;
	v53 =	vor.u32 s29, v7;
	v51 =	vor.u32 s28, v7  }
0x70: {  	v57 =	vor.u32 s25, v7;
	v16 =	vld.idx.msk [tilespmem:v18+s13+$0x0], $0xffff;
	(xrf1) =	vsort.ascd.msk.f32 $0xffff, v24, v12;
	v12 =	vor.u32 s24, v7;
	v24 =	vsel vm1, v46, v44  }
0x71: {  	v35 =	vadd.f32 v35, v48;
	v41 =	vsel vm2, v41, v43;
	v44 =	vmul.f32 v52, v52;
	v27 =	vld.idx.msk [tilespmem:v18+s2+$0x0], $0xffff  }
0x72: {  	vm2 =	vlt.f32 v45, v31;
	v15 =	vsel vm0, v28, v15;
	v46 =	vmul.f32 v50, v50;
	v43 =	vld.idx.msk [tilespmem:v58+s14+$0x0], $0xffff  }
0x73: {  	v37 =	vsub.f32 v37, v5;
	v42 =	vadd.f32 v42, v44;
	v28 =	vld.idx.msk [tilespmem:v18+s14+$0x0], $0xffff;
	(xrf1) =	vsort.dscd.msk.f32 $0xffff, v30, v15  }
0x74: {  	v20 =	vadd.f32 v20, v32;
	v15 =	vadd.f32 v49, v40;
	v30 =	vsel vm2, v47, v39  }
0x75: {  	v34 =	vsel vm1, v38, v34;
	v32 =	vadd.f32 v17, v35;
	v17 =	vmul.f32 v37, v37;
	v39 =	vld.idx.msk [tilespmem:v53+s14+$0x0], $0xffff  }
0x76: {  	v16 =	vsub.f32 v16, v5;
	v15 =	vadd.f32 v29, v15;
	v35 =	vld.idx.msk [tilespmem:v12+s14+$0x0], $0xffff;
	(xrf1) =	vsort.dscd.msk.f32 $0xffff, v24, v34  }
0x77: {  	v17 =	vadd.f32 v17, v46;
	v24 =	vsub.f32 v27, v4;
	v29 =	vld.idx.msk [tilespmem:v54+s14+$0x0], $0xffff;
	(xrf1) =	vsort.dscd.msk.f32 $0xffff, v41, v36  }
0x78: {  	v34 =	vadd.f32 v21, v42;
	v27 =	vld.idx.msk [tilespmem:v12+s2+$0x0], $0xffff;
	(xrf1) =	vsort.ascd.msk.f32 $0xffff, v20, v10;
	v10 =	vsel vm2, v45, v31  }
0x79: {  	v37 =	vmul.f32 v16, v16;
	v24 =	vmul.f32 v24, v24;
	v20 =	vld.idx.msk [tilespmem:v12+s13+$0x0], $0xffff;
	(xrf1) =	vsort.ascd.msk.f32 $0xffff, v15, v11;
	v36, v38, _ =	vpop (xrf1)  }
0x7a: {  	v17 =	vadd.f32 v33, v17;
	v11 =	vsub.f32 v28, v6;
	v15 =	vld.idx.msk [tilespmem:v51+s14+$0x0], $0xffff;
	(xrf1) =	vsort.dscd.msk.f32 $0xffff, v10, v30  }
0x7b: {  	vm0 =	vlt.f32 v25, v22;
	v24 =	vadd.f32 v37, v24;
	v28 =	vld.idx.msk [tilespmem:v58+s2+$0x0], $0xffff;
	(xrf1) =	vsort.ascd.msk.f32 $0xffff, v34, v9;
	v21, v30, _ =	vpop (xrf1)  }
0x7c: {  	v22 =	vsel vm0, v25, v22;
	v34 =	vmul.f32 v11, v11;
	v31 =	vld.idx.msk [tilespmem:v58+s13+$0x0], $0xffff;
	(xrf1) =	vsort.ascd.msk.f32 $0xffff, v17, v13;
	v16, v25, _ =	vpop (xrf1)  }
0x7d: {  	v40 =	vsel vm0, v23, v19;
	v37 =	vsub.f32 v43, v6;
	v9 =	vmovc v26;
	v10 =	vmov v58;
	v33 =	vld.idx.msk [tilespmem:v14+s2+$0x0], $0xffff  }
0x7e: {  	v17 =	vsub.f32 v27, v4;
	v23 =	vadd.f32 v34, v24;
	v19 =	vld.idx.msk [tilespmem:v51+s13+$0x0], $0xffff;
	v27, v26, _ =	vpop (xrf1);
	(xrf1) =	vsort.dscd.msk.f32 $0xffff, v22, v40  }
0x7f: {  	vm0 =	vlt.f32 v21, v55;
	v13 =	vmovc v57;
	v24 =	vsub.f32 v35, v6;
	v11 =	vmov v53;
	v22 =	vld.idx.msk [tilespmem:v54+s13+$0x0], $0xffff  }
0x80: {  	v21 =	vsel vm0, v21, v55;
	v41 =	vsub.f32 v15, v6;
	v45 =	vmul.f32 v17, v17;
	v35 =	vld.idx.msk [tilespmem:v14+s13+$0x0], $0xffff  }
0x81: {  	v24 =	vmul.f32 v24, v24;
	v47 =	vsub.f32 v28, v4;
	v40 =	vld.idx.msk [tilespmem:v53+s13+$0x0], $0xffff;
	(xrf1) =	vsort.ascd.msk.f32 $0xffff, v23, v18;
	v18, v15, _ =	vpop (xrf1)  }
0x82: {  	v30 =	vsel vm0, v30, v56;
	v17 =	vmul.f32 v41, v41;
	v31 =	vsub.f32 v31, v5;
	v23 =	vld.idx.msk [tilespmem:v51+s2+$0x0], $0xffff  }
0x83: {  	v42 =	vsub.f32 v20, v5;
	v33 =	vsub.f32 v33, v4;
	v52 =	vld.idx.msk [tilespmem:v54+s2+$0x0], $0xffff;
	(xrf1) =	vsort.ascd.msk.f32 $0xffff, v32, v8  }
0x84: {  	v32 =	vmul.f32 v31, v31;
	v8 =	vmov v51;
	v46 =	vld.idx.msk [tilespmem:v53+s2+$0x0], $0xffff;
	(xrf1) =	vsort.dscd.msk.f32 $0xffff, v21, v30;
	v44, v34, _ =	vpop (xrf1)  }
0x85: {  	v20 =	vmul.f32 v37, v37;
	vm1 =	vlt.f32 v27, v16;
	v22 =	vsub.f32 v22, v5;
	v37 =	vld.idx.msk [tilespmem:v57+s13+$0x0], $0xffff;
	v43, v50, _ =	vpop (xrf1)  }
0x86: {  	v48 =	vsub.f32 v39, v6;
	v19 =	vsub.f32 v19, v5;
	v53 =	vld.idx.msk [tilespmem:v57+s2+$0x0], $0xffff;
	v21, v28, _ =	vpop (xrf1)  }
0x87: {  	v29 =	vsub.f32 v29, v6;
	v51 =	vsub.f32 v35, v5;
	v54 =	vld.idx.msk [tilespmem:v14+s14+$0x0], $0xffff;
	vm0 =	vlt.f32 v21, v18;
	v55, v56, _ =	vpop (xrf1)  }
0x88: {  	v35 =	vmul.f32 v19, v19;
	v49 =	vsub.f32 v40, v5;
	v57 =	vld.idx.msk [tilespmem:v57+s14+$0x0], $0xffff;
	v30 =	vsel vm0, v21, v18;
	v31, v39, _ =	vpop (xrf1)  }
0x89: {  	v21 =	vmul.f32 v29, v29;
	v18 =	vsub.f32 v23, v4;
	vm3 =	vlt.f32 v55, v36;
	v41, v23, _ =	vpop (xrf1)  }
0x8a: {  	v29 =	vmul.f32 v48, v48;
	v60 =	vsub.f32 v46, v4;
	v56 =	vsel vm3, v56, v38;
	v46, v38, _ =	vpop (xrf1)  }
0x8b: {  	v59 =	vmul.f32 v42, v42;
	v58 =	vmul.f32 v51, v51;
	vm2 =	vlt.f32 v41, v43  }
0x8c: {  	v42 =	vmul.f32 v22, v22;
	v51 =	vsel vm1, v26, v25;
	v40 =	vmul.f32 v60, v60;
	v22, v19, _ =	vpop (xrf1)  }
.Ltmp0:
0x8d: {  	v26 =	vmul.f32 v33, v33;
	v60 =	vsel vm3, v55, v36;
	v61 =	vsub.f32 v54, v6;
	(pc) =	sbr.rel @p0 .LBB2_3-.Ltmp0, $4  }
0x8e: {  	v48 =	vmul.f32 v18, v18;
	v36 =	vsel vm2, v23, v50;
	v18 =	vsub.f32 v57, v6  }
0x8f: {  	v26 =	vadd.f32 v58, v26;
	v50 =	vsub.f32 v53, v4;
	v54 =	vmul.f32 v61, v61;
	v25, v23, _ =	vpop (xrf1)  }
0x90: {  	v52 =	vsub.f32 v52, v4;
	v55 =	vmul.f32 v47, v47;
	v33 =	vmul.f32 v18, v18  }
0x91: {  	s23 =	sadd.s32 $0xFFFFFF90, s21;
	v53 =	vadd.f32 v59, v45;
	v18 =	vor.u32 s21, v7;
	v54 =	vadd.f32 v54, v26;
	v45, v47, _ =	vpop (xrf1);
	(xrf1) =	vsort.dscd.msk.f32 $0xffff, v60, v56  }
0x92: {  	v26 =	vor.u32 s23, v7  }
0x93: {  	s22 =	sadd.s32 $0xFFFFFFD0, s21;
	v49 =	vmul.f32 v49, v49;
	v55 =	vadd.f32 v32, v55;
	v16 =	vsel vm1, v27, v16  }
0x94: {  	s25 =	sadd.s32 $0xFFFFFFE0, s21;
	vm11 =	vlt.f32 v46, v44;
	v35 =	vadd.f32 v35, v48;
	v32 =	vor.u32 s22, v7  }
0x95: {  	v41 =	vsel vm2, v41, v43;
	v53 =	vadd.f32 v24, v53;
	v24 =	vor.u32 s25, v7  }
0x96: {  	s29 =	sadd.s32 $0xFFFFFFB0, s21;
	v57 =	vld.idx.msk [tilespmem:v18+s2+$0x0], $0xffff;
	v58 =	vmul.f32 v50, v50;
	vm12 =	vlt.f32 v45, v31;
	(xrf1) =	vsort.ascd.msk.f32 $0xffff, v54, v14  }
0x97: {  	v15 =	vsel vm0, v28, v15;
	v60 =	vld.idx.msk [tilespmem:v18+s14+$0x0], $0xffff;
	v56 =	vand.u32 $0xFFFFFF80, v26;
	v14 =	vor.u32 s29, v7;
	(xrf1) =	vsort.dscd.msk.f32 $0xffff, v16, v51  }
0x98: {  	s28 =	sadd.s32 $0xFFFFFFA0, s21;
	v54 =	vor.u32 v0, v56;
	v56 =	vmul.f32 v52, v52;
	(xrf1) =	vsort.ascd.msk.f32 $0xffff, v53, v12;
	v53 =	vld.idx.msk [tilespmem:v18+s13+$0x0], $0xffff  }
0x99: {  	v37 =	vsub.f32 v37, v5;
	vm13 =	vlt.f32 v25, v22;
	v27 =	vor.u32 s28, v7;
	v50 =	vld.idx.msk [tilespmem:v32+s14+$0x0], $0xffff  }
0x9a: {  	s24 =	sadd.s32 $0xFFFFFFC0, s21;
	v44 =	vsel vm11, v46, v44;
	v61 =	vadd.f32 v49, v40;
	v59 =	vadd.f32 v42, v56;
	v40 =	vld.idx.msk [tilespmem:v24+s14+$0x0], $0xffff  }
0x9b: {  	v62 =	vsel vm11, v38, v34;
	v16 =	vor.u32 s24, v7;
	v20 =	vadd.f32 v20, v55;
	v55 =	vld.idx.msk [tilespmem:v24+s2+$0x0], $0xffff  }
0x9c: {  	v22 =	vsel vm13, v25, v22;
	(xrf1) =	vsort.dscd.msk.f32 $0xffff, v30, v15;
	v21 =	vadd.f32 v21, v59;
	v59 =	vld.idx.msk [tilespmem:v14+s14+$0x0], $0xffff  }
0x9d: {  	v17 =	vadd.f32 v17, v35;
	v63 =	vmul.f32 v37, v37;
	(xrf1) =	vsort.dscd.msk.f32 $0xffff, v44, v62;
	v62 =	vld.idx.msk [tilespmem:v32+s2+$0x0], $0xffff  }
0x9e: {  	v19 =	vsel vm13, v23, v19;
	v15 =	vadd.f32 v29, v61;
	v51 =	vsub.f32 v57, v4;
	v44 =	vld.idx.msk [tilespmem:v27+s2+$0x0], $0xffff  }
0x9f: {  	v52 =	vsel vm12, v47, v39;
	v48 =	vld.idx.msk [tilespmem:v14+s13+$0x0], $0xffff;
	v12 =	vsub.f32 v53, v5;
	v53 =	vadd.f32 v63, v58  }
0xa0: {  	v56 =	vsel vm12, v45, v31;
	v60 =	vsub.f32 v60, v6;
	(xrf1) =	vsort.dscd.msk.f32 $0xffff, v41, v36;
	v34 =	vld.idx.msk [tilespmem:v16+s14+$0x0], $0xffff  }
0xa1: {  	v29 =	vld.idx.msk [tilespmem:v54+s14+$0x0], $0xffff;
	(xrf1) =	vsort.ascd.msk.f32 $0xffff, v20, v10;
	v36 =	vmul.f32 v51, v51;
	v61 =	vadd.f32 v33, v53  }
0xa2: {  	v51 =	vld.idx.msk [tilespmem:v27+s13+$0x0], $0xffff;
	(xrf1) =	vsort.ascd.msk.f32 $0xffff, v15, v11;
	v45 =	vsub.f32 v50, v6;
	v30 =	vsub.f32 v55, v4  }
0xa3: {  	v63 =	vld.idx.msk [tilespmem:v32+s13+$0x0], $0xffff;
	v58 =	vmul.f32 v12, v12;
	v50 =	vsub.f32 v40, v6;
	v12 =	vsub.f32 v59, v6  }
0xa4: {  	v49 =	vld.idx.msk [tilespmem:v54+s13+$0x0], $0xffff;
	v15 =	vmul.f32 v60, v60;
	v20 =	vsub.f32 v62, v4;
	v10 =	vsub.f32 v44, v4  }
0xa5: {  	s30 =	sadd.s32 $0xFFFFFFF0, s21;
	(xrf1) =	vsort.dscd.msk.f32 $0xffff, v56, v52;
	v52 =	vld.idx.msk [tilespmem:v16+s13+$0x0], $0xffff;
	v37 =	vsub.f32 v48, v5;
	v11 =	vadd.f32 v58, v36  }
0xa6: {  	v7 =	vor.u32 s30, v7;
	(xrf1) =	vsort.ascd.msk.f32 $0xffff, v21, v9;
	v9, v21, _ =	vpop (xrf1);
	v34 =	vsub.f32 v34, v6;
	v29 =	vsub.f32 v29, v6  }
0xa7: {  	v59 =	vld.idx.msk [tilespmem:v14+s2+$0x0], $0xffff;
	v38 =	vsub.f32 v51, v5;
	v25, v33, _ =	vpop (xrf1);
	(xrf1) =	vsort.ascd.msk.f32 $0xffff, v61, v13;
	v30 =	vmul.f32 v30, v30  }
0xa8: {  	v62 =	vld.idx.msk [tilespmem:v27+s14+$0x0], $0xffff;
	v53 =	vsub.f32 v63, v5;
	v13 =	vmul.f32 v45, v45;
	v10 =	vmul.f32 v10, v10  }
0xa9: {  	v20 =	vmul.f32 v20, v20;
	v11 =	vadd.f32 v15, v11;
	v15 =	vsub.f32 v49, v5;
	v47, v46, _ =	vpop (xrf1)  }
0xaa: {  	v57 =	vld.idx.msk [tilespmem:v24+s13+$0x0], $0xffff;
	v40 =	vsub.f32 v52, v5;
	v29 =	vmul.f32 v29, v29;
	vm14 =	vlt.f32 v47, v9  }
0xab: {  	v60 =	vld.idx.msk [tilespmem:v16+s2+$0x0], $0xffff;
	v34 =	vmul.f32 v34, v34;
	(xrf1) =	vsort.dscd.msk.f32 $0xffff, v22, v19;
	v21 =	vsel vm14, v46, v21  }
0xac: {  	v63 =	vld.idx.msk [tilespmem:v54+s2+$0x0], $0xffff;
	v38 =	vmul.f32 v38, v38;
	v19 =	vmul.f32 v50, v50;
	v22, v35, _ =	vpop (xrf1);
	v9 =	vsel vm14, v47, v9  }
0xad: {  	v41 =	vsub.f32 v59, v4;
	v44 =	vsub.f32 v62, v6;
	v23, v39, _ =	vpop (xrf1);
	(xrf1) =	vsort.ascd.msk.f32 $0xffff, v11, v18  }
0xae: {  	v59 =	vld.idx.msk [tilespmem:v7+s2+$0x0], $0xffff;
	v15 =	vmul.f32 v15, v15;
	v10 =	vadd.f32 v38, v10;
	v55, v28, _ =	vpop (xrf1);
	(xrf1) =	vsort.ascd.msk.f32 $0xffff, v17, v8  }
0xaf: {  	v11 =	vmul.f32 v53, v53;
	v47 =	vld.idx.msk [tilespmem:v7+s13+$0x0], $0xffff;
	v8 =	vsub.f32 v57, v5;
	(xrf1) =	vsort.dscd.msk.f32 $0xffff, v9, v21;
	v9, v21, _ =	vpop (xrf1)  }
0xb0: {  	vm15 =	vlt.f32 v23, v22;
	v17 =	vsub.f32 v60, v4;
	v62 =	vmul.f32 v44, v44;
	v31, v36, _ =	vpop (xrf1)  }
0xb1: {  	v63 =	vsub.f32 v63, v4;
	v35 =	vsel vm15, v39, v35;
	v52 =	vsel vm15, v23, v22;
	v61, v43, _ =	vpop (xrf1)  }
0xb2: {  	v58 =	vld.idx.msk [tilespmem:v7+s14+$0x0], $0xffff;
	v11 =	vadd.f32 v11, v20;
	v8 =	vmul.f32 v8, v8;
	v17 =	vmul.f32 v17, v17;
	v56, v57, _ =	vpop (xrf1)  }
0xb3: {  	v10 =	vadd.f32 v62, v10;
	v42 =	vsub.f32 v59, v4;
	vm3 =	vlt.f32 v56, v25  }
0xb4: {  	v8 =	vadd.f32 v8, v30;
	v30 =	vsub.f32 v47, v5;
	v33 =	vsel vm3, v57, v33  }
0xb5: {  	v11 =	vadd.f32 v13, v11;
	vm6 =	vlt.f32 v61, v55;
	v25 =	vsel vm3, v56, v25  }
0xb6: {  	v8 =	vadd.f32 v19, v8;
	v30 =	vmul.f32 v30, v30;
	v18 =	vsel vm6, v61, v55;
	v49, v50, _ =	vpop (xrf1)  }
0xb7: {  	v61 =	vsub.f32 v58, v6;
	v55 =	vmul.f32 v40, v40;
	v51, v60, _ =	vpop (xrf1);
	(xrf1) =	vsort.dscd.msk.f32 $0xffff, v25, v33  }
0xb8: {  	v28 =	vsel vm6, v43, v28;
	v40 =	vmul.f32 v37, v37;
	v25, v33, _ =	vpop (xrf1);
	(xrf1) =	vsort.ascd.msk.f32 $0xffff, v10, v27  }
0xb9: {  	vm7 =	vlt.f32 v51, v31;
	v48 =	vmul.f32 v61, v61;
	v54, v53, _ =	vpop (xrf1);
	(xrf1) =	vsort.dscd.msk.f32 $0xffff, v52, v35  }
0xba: {  	v17 =	vadd.f32 v55, v17;
	vm8 =	vlt.f32 v25, v9;
	(xrf1) =	vsort.ascd.msk.f32 $0xffff, v8, v24  }
0xbb: {  	v57, v56, _ =	vpop (xrf1);
	v58 =	vsel vm8, v25, v9;
	(xrf1) =	vsort.dscd.msk.f32 $0xffff, v18, v28;
	v28 =	vsel vm8, v33, v21  }
0xbc: {  	v36 =	vsel vm7, v60, v36;
	v62 =	vsel vm7, v51, v31;
	(xrf1) =	vsort.dscd.msk.f32 $0xffff, v58, v28  }
0xbd: {  	v61 =	vmul.f32 v63, v63;
	v35 =	vadd.f32 v34, v17;
	(xrf1) =	vsort.dscd.msk.f32 $0xffff, v62, v36  }
0xbe: {  	v63 =	vmul.f32 v42, v42;
	v42 =	vmul.f32 v41, v41;
	v60, v59, _ =	vpop (xrf1);
	(xrf1) =	vsort.ascd.msk.f32 $0xffff, v11, v32  }
0xbf: {  	v33 =	vadd.f32 v15, v61;
	vm9 =	vlt.f32 v60, v49;
	(xrf1) =	vsort.ascd.msk.f32 $0xffff, v35, v16  }
0xc0: {  	v44 =	vmul.f32 v12, v12;
	v13 =	vadd.f32 v30, v63;
	v9 =	vsel vm9, v60, v49  }
0xc1: {  	v39 =	vsel vm9, v59, v50;
	v8 =	vadd.f32 v29, v33;
	v11 =	vadd.f32 v40, v42  }
0xc2: {  	v43 =	vadd.f32 v48, v13;
	vm10 =	vlt.f32 v57, v54;
	(xrf1) =	vsort.dscd.msk.f32 $0xffff, v9, v39  }
0xc3: {  	v10 =	vsel vm10, v57, v54;
	(xrf1) =	vsort.ascd.msk.f32 $0xffff, v8, v26;
	v8 =	vadd.f32 v44, v11  }
0xc4: {  	v45 =	vsel vm10, v56, v53;
	(xrf1) =	vsort.ascd.msk.f32 $0xffff, v43, v7;
	v7, v9, _ =	vpop (xrf1)  }
0xc5: {  	v47, v46, _ =	vpop (xrf1);
	(xrf1) =	vsort.dscd.msk.f32 $0xffff, v10, v45  }
0xc6: {  	(xrf1) =	vsort.ascd.msk.f32 $0xffff, v8, v14;
	v10, v11, _ =	vpop (xrf1)  }
0xc7: {  	v8, v14, _ =	vpop (xrf1)  }
0xc8: {  	v49, v48, _ =	vpop (xrf1)  }
0xc9: {  	v51, v50, _ =	vpop (xrf1)  }
0xca: {  	v53, v52, _ =	vpop (xrf1)  }
0xcb: {  	vm11 =	vlt.f32 v10, v7;
	v54, v55, _ =	vpop (xrf1)  }
0xcc: {  	v9 =	vsel vm11, v11, v9;
	v56, v57, _ =	vpop (xrf1)  }
0xcd: {  	v7 =	vsel vm11, v10, v7;
	v58, v59, _ =	vpop (xrf1)  }
0xce: {  	vm14 =	vlt.f32 v58, v47  }
0xcf: {  	(xrf1) =	vsort.dscd.msk.f32 $0xffff, v7, v9;
	v11 =	vsel vm14, v59, v46  }
0xd0: {  	vm13 =	vlt.f32 v49, v8;
	vm12 =	vlt.f32 v56, v51;
	v7, v9, _ =	vpop (xrf1);
	v10 =	vsel vm14, v58, v47  }
0xd1: {  	v14 =	vsel vm13, v48, v14;
	v8 =	vsel vm13, v49, v8;
	v17 =	vsel vm12, v56, v51;
	v61, v60, _ =	vpop (xrf1)  }
0xd2: {  	v18 =	vsel vm12, v57, v50;
	vm15 =	vlt.f32 v61, v54;
	v63, v62, _ =	vpop (xrf1);
	(xrf1) =	vsort.dscd.msk.f32 $0xffff, v10, v11  }
0xd3: {  	(xrf1) =	vsort.dscd.msk.f32 $0xffff, v8, v14;
	vm6 =	vlt.f32 v63, v53;
	v24 =	vsel vm15, v60, v55;
	v10, v11, _ =	vpop (xrf1)  }
0xd4: {  	v12 =	vsel vm6, v63, v53;
	v20 =	vsel vm6, v62, v52;
	(xrf1) =	vsort.dscd.msk.f32 $0xffff, v17, v18;
	v26, v25, _ =	vpop (xrf1)  }
0xd5: {  	v27 =	vsel vm15, v61, v54;
	(xrf1) =	vsort.dscd.msk.f32 $0xffff, v12, v20;
	vm7 =	vlt.f32 v26, v7  }
0xd6: {  	(xrf1) =	vsort.dscd.msk.f32 $0xffff, v27, v24;
	v28 =	vsel vm7, v25, v9;
	v7 =	vsel vm7, v26, v7  }
0xd7: {  	(xrf1) =	vsort.dscd.msk.f32 $0xffff, v7, v28;
	_ =	sdelay $0x6  }
0xd8: {  	v31 =	vmul.u32 $0xFFFFFFFF, v0  }
0xd9: {  	v7, v8, _ =	vpop (xrf1)  }
0xda: {  	v13 =	vadd.s32 $0xF, v31;
	v30, v29, _ =	vpop (xrf1)  }
0xdb: {  	v10 =	vperm.xlane v10, v13;
	v33, v32, _ =	vpop (xrf1)  }
0xdc: {  	v45 =	vperm.xlane v11, v13;
	v42 =	vperm.xlane v33, v13;
	v34, v17, _ =	vpop (xrf1)  }
0xdd: {  	v7 =	vperm.xlane v7, v13;
	v44 =	vperm.xlane v32, v13;
	v35, v36, _ =	vpop (xrf1)  }
0xde: {  	v8 =	vperm.xlane v8, v13;
	v9 =	vperm.xlane v30, v13;
	vm10 =	vlt.f32 v42, v34;
	v37, v38, _ =	vpop (xrf1)  }
0xdf: {  	v12 =	vperm.xlane v29, v13;
	v46 =	vsel vm10, v44, v17;
	vm8 =	vlt.f32 v7, v37;
	v39, v40, _ =	vpop (xrf1)  }
0xe0: {  	v7 =	vsel vm8, v7, v37;
	v8 =	vsel vm8, v8, v38;
	vm9 =	vlt.f32 v9, v39  }
0xe1: {  	(xrf1) =	vsort.dscd.msk.f32 $0xffff, v7, v8;
	v41 =	vsel vm9, v9, v39;
	v43 =	vsel vm9, v12, v40  }
0xe2: {  	vm11 =	vlt.f32 v10, v35;
	v8 =	vsel vm10, v42, v34;
	(xrf1) =	vsort.dscd.msk.f32 $0xffff, v41, v43  }
0xe3: {  	v47 =	vsel vm11, v10, v35;
	v7 =	vsel vm11, v45, v36;
	(xrf1) =	vsort.dscd.msk.f32 $0xffff, v8, v46  }
0xe4: {  	(xrf1) =	vsort.dscd.msk.f32 $0xffff, v47, v7;
	_ =	sdelay $0xa  }
0xe5: {  	v7, v8, _ =	vpop (xrf1)  }
0xe6: {  	v48, v49, _ =	vpop (xrf1)  }
0xe7: {  	v50, v51, _ =	vpop (xrf1)  }
0xe8: {  	v9 =	vperm.xlane v48, v13;
	v52, v53, _ =	vpop (xrf1)  }
0xe9: {  	v10 =	vperm.xlane v49, v13;
	v14 =	vperm.xlane v52, v13  }
0xea: {  	vm12 =	vlt.f32 v9, v7;
	v15 =	vperm.xlane v53, v13  }
0xeb: {  	v7 =	vsel vm12, v9, v7;
	v8 =	vsel vm12, v10, v8;
	vm13 =	vlt.f32 v14, v50  }
0xec: {  	(xrf1) =	vsort.dscd.msk.f32 $0xffff, v7, v8;
	v54 =	vsel vm13, v14, v50;
	v55 =	vsel vm13, v15, v51  }
0xed: {  	(xrf1) =	vsort.dscd.msk.f32 $0xffff, v54, v55;
	_ =	sdelay $0xc  }
0xee: {  	v7, v8, _ =	vpop (xrf1)  }
0xef: {  	v56, v57, _ =	vpop (xrf1)  }
0xf0: {  	v9 =	vperm.xlane v56, v13  }
0xf1: {  	v10 =	vperm.xlane v57, v13  }
0xf2: {  	vm14 =	vlt.f32 v9, v7  }
0xf3: {  	v7 =	vsel vm14, v9, v7;
	v8 =	vsel vm14, v10, v8  }
0xf4: {  	(xrf1) =	vsort.dscd.msk.f32 $0xffff, v7, v8;
	_ =	sdelay $0xd  }
0xf5: {  	_, v7, _ =	vpop (xrf1)  }
0xf6: {  	v7 =	vperm.xlane v7, v13;
	_ =	sdelay $0x5  }
0xf7: {  	v58 =	vld.idx.msk [tilespmem:v7+s2+$0x0], $0xffff  }
0xf8: {  	v59 =	vld.idx.msk [tilespmem:v7+s13+$0x0], $0xffff  }
0xf9: {  	v60 =	vld.idx.msk [tilespmem:v7+s14+$0x0], $0xffff  }
0xfa: {  	s31 =	smul.u32 $0x140, s20  }
0xfb: {  	v3 =	vadd.f32 $-1.000000000e+00, v3;
	s20 =	sadd.s32 $0x1, s20  }
0xfc: {  	p0 =	sne.s32 s20, $0x20;
	s21 =	sshra.s32 s31, $0x2;
	v7 =	vadd.s32 v1, v7;
	v61 =	vsub.f32 v58, v4  }
.Ltmp1:
0xfd: {  	[tilespmem:s21+$0x18140] =	vst v3;
	v62 =	vsub.f32 v59, v5;
	(pc) =	sbr.rel @p0 .LBB2_2-.Ltmp1, $4  }
0xfe: {  	v63 =	vsub.f32 v60, v6;
	[tilespmem:s21+$0x18100] =	vst v61  }
0xff: {  	[tilespmem:s21+$0x18110] =	vst v62  }
0x100: {  	vm15 =	vmmov $0xffff;
	[tilespmem:s21+$0x18120] =	vst v63;
	s21 =	sadd.s32 $0x18130, s21  }
0x101: {  	[tilespmem:s21], [sflag:$0x1] =	stream.indirect_vreg.gather [hbm4b:s3+s2], $0x1, v7, vm15, $0xb8;
	[tilespmem:$0x18B00] =	vst v63  }
0x102: {  	_ =	swait.ge [sflag:s17], $0x200;
	s19 =	sadd.s32 $0x1, s19  }
0x103: {  	[sflag:s17] =	ssyncset.done $0x0;
	p0 =	sne.s32 s19, s9  }
.Ltmp2:
0x104: {  	[sflag:s17] =	ssyncadd.s32 $0xFFFFFE00;
	(pc) =	sbr.rel @p0 .LBB2_1-.Ltmp2, $4  }
0x105: {  	[hbm4b:s8+s2] =	stream.linear.scatter [tilespmem:s18], [sflag:$0x2], $0xA00, $0x38;
	[tilespmem:$0x18B00] =	vst v63  }
0x106: {  	_ =	swait.ge [sflag:s12], $0xA00  }
0x107: {  	[sflag:s12] =	ssyncset.done $0x0  }
0x108: {  	[sflag:s12] =	ssyncadd.s32 $0xFFFFF600  }
0x109: {  	_ =	sfence.sel $0x180000  }
0x10a: {  	[bflag:$0x0] =	sbarrier.arrive $0xFFFF  }
0x10b: {  	p0 =	sne.s32 s1, $0x0;
	_ =	strace $0x90000047  }
0x10c: {  	s0 =	sadd.s32 @!p0 $0x100000, s0;
	[bflag:$0x2] =	sbarrier.arrive $0xFFFF  }
0x10d: {  	[sflag:s0] =	ssyncadd.tile.s32 @!p0 $0x1;
	_ =	shalt  }
.Lfunc_end2:
_tile_overlayer_lowered:
.L_overlay_start_2:
0x10e: {  	(tag) =	ssettag $0x2  }
0x10f: {  	s0 =	rddreg [dreg:$0x0];
	s2 =	stileid.u32  }
0x110: {  	s1 =	rddreg [dreg:$0x1];
	p0 =	sne.s32 s2, $0x0  }
0x111: {  	s3 =	rddreg [dreg:$0x2];
	[bflag:$0x3] =	sbarrier.arrive $0xFFFF;
	s2 =	simm.s32 @!p0 $0x1C02  }
0x112: {  	[timem:s3], [sflag:s2] =	dma.local @!p0 [hbm:s0], s1  }
0x113: {  	s0 =	simm.s32 @!p0 $0x2  }
0x114: {  	_ =	swait.ge @!p0 [sflag:s0], s1  }
0x115: {  	s1 =	ssub.s32 @!p0 $0x0, s1;
	[sflag:s0] =	ssyncset.done @!p0 $0x0  }
0x116: {  	[sflag:s0] =	ssyncadd.s32 @!p0 s1  }
0x117: {  	[bflag:$0x3] =	sbarrier.arrive $0xFFFF  }
0x118: {  	_ =	shalt  }

</sc_bundles>
